<compile_context>
chip_gen: v7x
topology: tpu7x:2x2x1
jax: 0.10.2.dev20260603
libtpu: 0.0.44.dev20260713+nightly
codegen_flags: <defaults>
</compile_context>

<pallas_src>
import jax
import jax.numpy as jnp
from jax import lax
from jax.experimental import pallas as pl
from jax.experimental.pallas import tpu as pltpu
from jax.experimental.pallas import tpu_sc as plsc

D_MODEL = 64
WIDE = 128
SCALE = 8.0
NC, NS = 2, 16
NW = NC * NS
CHUNK = 128
NBUF = 6
LAG = 3


def kernel(x, table):
    b, s = x.shape
    n = b * s
    per_w = n // NW
    n_chunks = per_w // CHUNK
    n_steady = (n_chunks - LAG - NBUF) // NBUF
    n_tail1 = (n_chunks - LAG - NBUF) % NBUF
    assert n_chunks >= 2 * NBUF
    idx = x.reshape(n)
    tpad = jnp.pad(table * SCALE, ((0, 0), (0, WIDE - D_MODEL)))

    @pl.kernel(
        out_type=jax.ShapeDtypeStruct((n, WIDE), table.dtype),
        mesh=plsc.VectorSubcoreMesh(core_axis_name="c", subcore_axis_name="s"),
        scratch_types=[pltpu.VMEM((per_w,), jnp.int32)]
        + [pltpu.VMEM((CHUNK, WIDE), jnp.float32) for _ in range(NBUF)]
        + [pltpu.SemaphoreType.DMA((NBUF,)), pltpu.SemaphoreType.DMA((NBUF,))],
    )
    def gather_rows(t_hbm, i_hbm, o_hbm, idx_v, *bufs_and_sems):
        wbuf = bufs_and_sems[0:NBUF]
        gsem = bufs_and_sems[NBUF]
        osem = bufs_and_sems[NBUF + 1]

        wid = lax.axis_index("s") * NC + lax.axis_index("c")
        base = wid * per_w
        pltpu.sync_copy(i_hbm.at[pl.ds(base, per_w)], idx_v)

        def start_gather(bi, ch):
            pltpu.make_async_copy(
                t_hbm.at[idx_v.at[pl.ds(ch * CHUNK, CHUNK)]], wbuf[bi], gsem.at[bi]
            ).start()

        def wait_gather(bi, ch):
            pltpu.make_async_copy(
                t_hbm.at[idx_v.at[pl.ds(ch * CHUNK, CHUNK)]], wbuf[bi], gsem.at[bi]
            ).wait()

        def start_out(bi, ch):
            row = pl.multiple_of(base + ch * CHUNK, CHUNK)
            pltpu.make_async_copy(
                wbuf[bi], o_hbm.at[pl.ds(row, CHUNK)], osem.at[bi]
            ).start()

        def wait_out(bi):
            pltpu.make_async_copy(
                wbuf[bi],
                o_hbm.at[pl.ds(pl.multiple_of(base, CHUNK), CHUNK)],
                osem.at[bi],
            ).wait()

        def consume(bi, ch):
            wait_gather(bi, ch)
            start_out(bi, ch)

        def refill(bj, c2, first_lap):
            if not first_lap:
                wait_out(bj)
            start_gather(bj, c2)

        for c in range(LAG):
            start_gather(c % NBUF, c)

        for ch in range(NBUF):
            c2 = ch + LAG
            refill(c2 % NBUF, c2, first_lap=c2 < NBUF)
            consume(ch % NBUF, ch)

        @pl.loop(0, n_steady)
        def _(m):
            ch0 = NBUF + m * NBUF
            for i in range(NBUF):
                refill((i + LAG) % NBUF, ch0 + i + LAG, first_lap=False)
                consume(i, ch0 + i)

        for ch in range(n_chunks - LAG - n_tail1, n_chunks - LAG):
            refill((ch + LAG) % NBUF, ch + LAG, first_lap=False)
            consume(ch % NBUF, ch)

        for ch in range(n_chunks - LAG, n_chunks):
            consume(ch % NBUF, ch)

        for bi in range(NBUF):
            wait_out(bi)

    out = gather_rows(tpad, idx)
    return out[:, :D_MODEL].reshape(b, s, D_MODEL)

# --- scband reference (transcript-rebuilt; emitter-appended) ---
"""Pipeline reference for scband-embeddings-12146167513272 (READ-ONLY COPY).

The authoritative reference and input builder live on the scoring server;
editing this copy changes nothing except your own understanding.
"""

import jax, jax.numpy as jnp
import numpy as np

VOCAB = 1000000
D_MODEL = 64

def setup_inputs(seed: int = 0) -> dict:
    key = jax.random.key(seed)
    k1, k2 = jax.random.split(key)
    x = jax.random.randint(k1, (4096, 200), 0, VOCAB, dtype=jnp.int64 if jax.config.jax_enable_x64 else jnp.int32)
    table = jax.random.normal(k2, (VOCAB, D_MODEL), dtype=jnp.float32) * 0.02
    return {"x": x, "table": table}

def reference(x, table):
    # Embeddings.call: lut(x) * sqrt(d_model)
    emb = jnp.take(table, x, axis=0)
    return emb * jnp.sqrt(jnp.float32(D_MODEL))

if __name__ == "__main__":
    import jax
    _d = setup_inputs()
    print(jax.jit(kernel)(*tuple(_d.values())))

</pallas_src>

<mosaic_0001>
#map = affine_map<(d0, d1) -> (0, 0)>
#map1 = affine_map<(d0, d1) -> (0)>
module attributes {stable_mosaic.version = 14 : i64} {
  func.func @gather_rows(%arg0: i32, %arg1: i32, %arg2: memref<1000000x128xf32, #tpu.memory_space<hbm>>, %arg3: memref<819200xi32, #tpu.memory_space<hbm>>, %arg4: memref<819200x128xf32, #tpu.memory_space<hbm>>, %arg5: memref<25600xi32, #tpu.memory_space<vmem>>, %arg6: memref<128x128xf32, #tpu.memory_space<vmem>>, %arg7: memref<128x128xf32, #tpu.memory_space<vmem>>, %arg8: memref<128x128xf32, #tpu.memory_space<vmem>>, %arg9: memref<128x128xf32, #tpu.memory_space<vmem>>, %arg10: memref<128x128xf32, #tpu.memory_space<vmem>>, %arg11: memref<128x128xf32, #tpu.memory_space<vmem>>, %arg12: memref<6x!tpu.dma_semaphore, #tpu.memory_space<semaphore_mem>>, %arg13: memref<6x!tpu.dma_semaphore, #tpu.memory_space<semaphore_mem>>) attributes {dimension_semantics = [#tpu.dimension_semantics<core_parallel>, #tpu.dimension_semantics<subcore_parallel>], iteration_bounds = array<i64: 2, 16>, scalar_prefetch = 0 : i64, scratch_operands = 9 : i64, tpu.core_type = #tpu.core_type<sc_vector_subcore>, window_params = [{transform_indices = #map}, {transform_indices = #map1}, {transform_indices = #map}]} {
    %mul3A = arith.constant 2 : i32
    %mul3A_0 = arith.muli %arg1, %mul3A : i32
    %add3A = arith.addi %mul3A_0, %arg0 : i32
    %mul3A_1 = arith.constant 25600 : i32
    %mul3A_2 = arith.muli %add3A, %mul3A_1 : i32
    "tpu.region"() ({
      %run_scoped3A = tpu.sem_alloc : memref<!tpu.dma_semaphore, #tpu.memory_space<semaphore_mem>>
      %dma_start3A_480 = tpu.memref_slice %arg3[%mul3A_2] : memref<819200xi32, #tpu.memory_space<hbm>> -> memref<25600xi32, #tpu.memory_space<hbm>>
      %dma_start3A_481 = tpu.memref_slice %arg3[%mul3A_2] : memref<819200xi32, #tpu.memory_space<hbm>> -> memref<25600xi32, #tpu.memory_space<hbm>>
      tpu.enqueue_dma source(%dma_start3A_481 : memref<25600xi32, #tpu.memory_space<hbm>>) target(%arg5 : memref<25600xi32, #tpu.memory_space<vmem>>) target_semaphore(%run_scoped3A : memref<!tpu.dma_semaphore, #tpu.memory_space<semaphore_mem>>)
      %dma_wait3A_482 = tpu.memref_slice %arg3[%mul3A_2] : memref<819200xi32, #tpu.memory_space<hbm>> -> memref<25600xi32, #tpu.memory_space<hbm>>
      %dma_wait3A_483 = tpu.memref_slice %arg3[%mul3A_2] : memref<819200xi32, #tpu.memory_space<hbm>> -> memref<25600xi32, #tpu.memory_space<hbm>>
      tpu.wait_dma2 semaphore(%run_scoped3A : memref<!tpu.dma_semaphore, #tpu.memory_space<semaphore_mem>>) src(%dma_wait3A_483 : memref<25600xi32, #tpu.memory_space<hbm>>) dst(%arg5 : memref<25600xi32, #tpu.memory_space<vmem>>)
      tpu.yield
    }) : () -> ()
    %dma_start3A = arith.constant 0 : i32
    %dma_start3A_3 = arith.constant 0 : i32
    %dma_start3A_4 = tpu.memref_slice %arg5[%dma_start3A_3] : memref<25600xi32, #tpu.memory_space<vmem>> -> memref<128xi32, #tpu.memory_space<vmem>>
    %dma_start3A_5 = arith.constant 0 : i32
    %dma_start3A_6 = arith.constant 0 : i32
    %dma_start3A_7 = tpu.memref_slice %arg2[%dma_start3A_5, %dma_start3A_6] : memref<1000000x128xf32, #tpu.memory_space<hbm>> -> memref<1000000x128xf32, #tpu.memory_space<hbm>>
    %dma_start3A_8 = tpu.memref_slice %arg12[%dma_start3A] : memref<6x!tpu.dma_semaphore, #tpu.memory_space<semaphore_mem>> -> memref<1x!tpu.dma_semaphore, #tpu.memory_space<semaphore_mem>>
    %dma_start3A_9 = tpu.memref_squeeze %dma_start3A_8 : memref<1x!tpu.dma_semaphore, #tpu.memory_space<semaphore_mem>> -> memref<!tpu.dma_semaphore, #tpu.memory_space<semaphore_mem>>
    tpu.enqueue_indirect_dma source(%dma_start3A_7 : memref<1000000x128xf32, #tpu.memory_space<hbm>>) target(%arg6 : memref<128x128xf32, #tpu.memory_space<vmem>>) offsets(%dma_start3A_4 : memref<128xi32, #tpu.memory_space<vmem>>) semaphore(%dma_start3A_9 : memref<!tpu.dma_semaphore, #tpu.memory_space<semaphore_mem>>)
    %dma_start3A_10 = arith.constant 1 : i32
    %dma_start3A_11 = arith.constant 128 : i32
    %dma_start3A_12 = tpu.memref_slice %arg5[%dma_start3A_11] : memref<25600xi32, #tpu.memory_space<vmem>> -> memref<128xi32, #tpu.memory_space<vmem>>
    %dma_start3A_13 = arith.constant 0 : i32
    %dma_start3A_14 = arith.constant 0 : i32
    %dma_start3A_15 = tpu.memref_slice %arg2[%dma_start3A_13, %dma_start3A_14] : memref<1000000x128xf32, #tpu.memory_space<hbm>> -> memref<1000000x128xf32, #tpu.memory_space<hbm>>
    %dma_start3A_16 = tpu.memref_slice %arg12[%dma_start3A_10] : memref<6x!tpu.dma_semaphore, #tpu.memory_space<semaphore_mem>> -> memref<1x!tpu.dma_semaphore, #tpu.memory_space<semaphore_mem>>
    %dma_start3A_17 = tpu.memref_squeeze %dma_start3A_16 : memref<1x!tpu.dma_semaphore, #tpu.memory_space<semaphore_mem>> -> memref<!tpu.dma_semaphore, #tpu.memory_space<semaphore_mem>>
    tpu.enqueue_indirect_dma source(%dma_start3A_15 : memref<1000000x128xf32, #tpu.memory_space<hbm>>) target(%arg7 : memref<128x128xf32, #tpu.memory_space<vmem>>) offsets(%dma_start3A_12 : memref<128xi32, #tpu.memory_space<vmem>>) semaphore(%dma_start3A_17 : memref<!tpu.dma_semaphore, #tpu.memory_space<semaphore_mem>>)
    %dma_start3A_18 = arith.constant 2 : i32
    %dma_start3A_19 = arith.constant 256 : i32
    %dma_start3A_20 = tpu.memref_slice %arg5[%dma_start3A_19] : memref<25600xi32, #tpu.memory_space<vmem>> -> memref<128xi32, #tpu.memory_space<vmem>>
    %dma_start3A_21 = arith.constant 0 : i32
    %dma_start3A_22 = arith.constant 0 : i32
    %dma_start3A_23 = tpu.memref_slice %arg2[%dma_start3A_21, %dma_start3A_22] : memref<1000000x128xf32, #tpu.memory_space<hbm>> -> memref<1000000x128xf32, #tpu.memory_space<hbm>>
    %dma_start3A_24 = tpu.memref_slice %arg12[%dma_start3A_18] : memref<6x!tpu.dma_semaphore, #tpu.memory_space<semaphore_mem>> -> memref<1x!tpu.dma_semaphore, #tpu.memory_space<semaphore_mem>>
    %dma_start3A_25 = tpu.memref_squeeze %dma_start3A_24 : memref<1x!tpu.dma_semaphore, #tpu.memory_space<semaphore_mem>> -> memref<!tpu.dma_semaphore, #tpu.memory_space<semaphore_mem>>
    tpu.enqueue_indirect_dma source(%dma_start3A_23 : memref<1000000x128xf32, #tpu.memory_space<hbm>>) target(%arg8 : memref<128x128xf32, #tpu.memory_space<vmem>>) offsets(%dma_start3A_20 : memref<128xi32, #tpu.memory_space<vmem>>) semaphore(%dma_start3A_25 : memref<!tpu.dma_semaphore, #tpu.memory_space<semaphore_mem>>)
    %dma_start3A_26 = arith.constant 3 : i32
    %dma_start3A_27 = arith.constant 384 : i32
    %dma_start3A_28 = tpu.memref_slice %arg5[%dma_start3A_27] : memref<25600xi32, #tpu.memory_space<vmem>> -> memref<128xi32, #tpu.memory_space<vmem>>
    %dma_start3A_29 = arith.constant 0 : i32
    %dma_start3A_30 = arith.constant 0 : i32
    %dma_start3A_31 = tpu.memref_slice %arg2[%dma_start3A_29, %dma_start3A_30] : memref<1000000x128xf32, #tpu.memory_space<hbm>> -> memref<1000000x128xf32, #tpu.memory_space<hbm>>
    %dma_start3A_32 = tpu.memref_slice %arg12[%dma_start3A_26] : memref<6x!tpu.dma_semaphore, #tpu.memory_space<semaphore_mem>> -> memref<1x!tpu.dma_semaphore, #tpu.memory_space<semaphore_mem>>
    %dma_start3A_33 = tpu.memref_squeeze %dma_start3A_32 : memref<1x!tpu.dma_semaphore, #tpu.memory_space<semaphore_mem>> -> memref<!tpu.dma_semaphore, #tpu.memory_space<semaphore_mem>>
    tpu.enqueue_indirect_dma source(%dma_start3A_31 : memref<1000000x128xf32, #tpu.memory_space<hbm>>) target(%arg9 : memref<128x128xf32, #tpu.memory_space<vmem>>) offsets(%dma_start3A_28 : memref<128xi32, #tpu.memory_space<vmem>>) semaphore(%dma_start3A_33 : memref<!tpu.dma_semaphore, #tpu.memory_space<semaphore_mem>>)
    %dma_wait3A = arith.constant 0 : i32
    %dma_wait3A_34 = arith.constant 0 : i32
    %dma_wait3A_35 = tpu.memref_slice %arg5[%dma_wait3A_34] : memref<25600xi32, #tpu.memory_space<vmem>> -> memref<128xi32, #tpu.memory_space<vmem>>
    %dma_wait3A_36 = arith.constant 0 : i32
    %dma_wait3A_37 = arith.constant 0 : i32
    %dma_wait3A_38 = tpu.memref_slice %arg2[%dma_wait3A_36, %dma_wait3A_37] : memref<1000000x128xf32, #tpu.memory_space<hbm>> -> memref<1000000x128xf32, #tpu.memory_space<hbm>>
    %dma_wait3A_39 = tpu.memref_slice %arg12[%dma_wait3A] : memref<6x!tpu.dma_semaphore, #tpu.memory_space<semaphore_mem>> -> memref<1x!tpu.dma_semaphore, #tpu.memory_space<semaphore_mem>>
    %dma_wait3A_40 = tpu.memref_squeeze %dma_wait3A_39 : memref<1x!tpu.dma_semaphore, #tpu.memory_space<semaphore_mem>> -> memref<!tpu.dma_semaphore, #tpu.memory_space<semaphore_mem>>
    tpu.wait_indirect_dma semaphore(%dma_wait3A_40 : memref<!tpu.dma_semaphore, #tpu.memory_space<semaphore_mem>>) src(%dma_wait3A_38 : memref<1000000x128xf32, #tpu.memory_space<hbm>>) dst(%arg6 : memref<128x128xf32, #tpu.memory_space<vmem>>)
    %add3A_41 = arith.constant 0 : i32
    %add3A_42 = arith.addi %mul3A_2, %add3A_41 : i32
    %multiple_of3A = tpu.assume_multiple %add3A_42, 128 : i32
    %dma_start3A_43 = arith.constant 0 : i32
    %dma_start3A_44 = arith.constant 0 : i32
    %dma_start3A_45 = tpu.memref_slice %arg4[%multiple_of3A, %dma_start3A_44] : memref<819200x128xf32, #tpu.memory_space<hbm>> -> memref<128x128xf32, #tpu.memory_space<hbm>>
    %dma_start3A_46 = tpu.memref_slice %arg13[%dma_start3A_43] : memref<6x!tpu.dma_semaphore, #tpu.memory_space<semaphore_mem>> -> memref<1x!tpu.dma_semaphore, #tpu.memory_space<semaphore_mem>>
    %dma_start3A_47 = tpu.memref_squeeze %dma_start3A_46 : memref<1x!tpu.dma_semaphore, #tpu.memory_space<semaphore_mem>> -> memref<!tpu.dma_semaphore, #tpu.memory_space<semaphore_mem>>
    %dma_start3A_48 = arith.constant 0 : i32
    %dma_start3A_49 = tpu.memref_slice %arg4[%multiple_of3A, %dma_start3A_48] : memref<819200x128xf32, #tpu.memory_space<hbm>> -> memref<128x128xf32, #tpu.memory_space<hbm>>
    tpu.enqueue_dma source(%arg6 : memref<128x128xf32, #tpu.memory_space<vmem>>) target(%dma_start3A_49 : memref<128x128xf32, #tpu.memory_space<hbm>>) target_semaphore(%dma_start3A_47 : memref<!tpu.dma_semaphore, #tpu.memory_space<semaphore_mem>>)
    %dma_start3A_50 = arith.constant 4 : i32
    %dma_start3A_51 = arith.constant 512 : i32
    %dma_start3A_52 = tpu.memref_slice %arg5[%dma_start3A_51] : memref<25600xi32, #tpu.memory_space<vmem>> -> memref<128xi32, #tpu.memory_space<vmem>>
    %dma_start3A_53 = arith.constant 0 : i32
    %dma_start3A_54 = arith.constant 0 : i32
    %dma_start3A_55 = tpu.memref_slice %arg2[%dma_start3A_53, %dma_start3A_54] : memref<1000000x128xf32, #tpu.memory_space<hbm>> -> memref<1000000x128xf32, #tpu.memory_space<hbm>>
    %dma_start3A_56 = tpu.memref_slice %arg12[%dma_start3A_50] : memref<6x!tpu.dma_semaphore, #tpu.memory_space<semaphore_mem>> -> memref<1x!tpu.dma_semaphore, #tpu.memory_space<semaphore_mem>>
    %dma_start3A_57 = tpu.memref_squeeze %dma_start3A_56 : memref<1x!tpu.dma_semaphore, #tpu.memory_space<semaphore_mem>> -> memref<!tpu.dma_semaphore, #tpu.memory_space<semaphore_mem>>
    tpu.enqueue_indirect_dma source(%dma_start3A_55 : memref<1000000x128xf32, #tpu.memory_space<hbm>>) target(%arg10 : memref<128x128xf32, #tpu.memory_space<vmem>>) offsets(%dma_start3A_52 : memref<128xi32, #tpu.memory_space<vmem>>) semaphore(%dma_start3A_57 : memref<!tpu.dma_semaphore, #tpu.memory_space<semaphore_mem>>)
    %dma_wait3A_58 = arith.constant 1 : i32
    %dma_wait3A_59 = arith.constant 128 : i32
    %dma_wait3A_60 = tpu.memref_slice %arg5[%dma_wait3A_59] : memref<25600xi32, #tpu.memory_space<vmem>> -> memref<128xi32, #tpu.memory_space<vmem>>
    %dma_wait3A_61 = arith.constant 0 : i32
    %dma_wait3A_62 = arith.constant 0 : i32
    %dma_wait3A_63 = tpu.memref_slice %arg2[%dma_wait3A_61, %dma_wait3A_62] : memref<1000000x128xf32, #tpu.memory_space<hbm>> -> memref<1000000x128xf32, #tpu.memory_space<hbm>>
    %dma_wait3A_64 = tpu.memref_slice %arg12[%dma_wait3A_58] : memref<6x!tpu.dma_semaphore, #tpu.memory_space<semaphore_mem>> -> memref<1x!tpu.dma_semaphore, #tpu.memory_space<semaphore_mem>>
    %dma_wait3A_65 = tpu.memref_squeeze %dma_wait3A_64 : memref<1x!tpu.dma_semaphore, #tpu.memory_space<semaphore_mem>> -> memref<!tpu.dma_semaphore, #tpu.memory_space<semaphore_mem>>
    tpu.wait_indirect_dma semaphore(%dma_wait3A_65 : memref<!tpu.dma_semaphore, #tpu.memory_space<semaphore_mem>>) src(%dma_wait3A_63 : memref<1000000x128xf32, #tpu.memory_space<hbm>>) dst(%arg7 : memref<128x128xf32, #tpu.memory_space<vmem>>)
    %add3A_66 = arith.constant 128 : i32
    %add3A_67 = arith.addi %mul3A_2, %add3A_66 : i32
    %multiple_of3A_68 = tpu.assume_multiple %add3A_67, 128 : i32
    %dma_start3A_69 = arith.constant 1 : i32
    %dma_start3A_70 = arith.constant 0 : i32
    %dma_start3A_71 = tpu.memref_slice %arg4[%multiple_of3A_68, %dma_start3A_70] : memref<819200x128xf32, #tpu.memory_space<hbm>> -> memref<128x128xf32, #tpu.memory_space<hbm>>
    %dma_start3A_72 = tpu.memref_slice %arg13[%dma_start3A_69] : memref<6x!tpu.dma_semaphore, #tpu.memory_space<semaphore_mem>> -> memref<1x!tpu.dma_semaphore, #tpu.memory_space<semaphore_mem>>
    %dma_start3A_73 = tpu.memref_squeeze %dma_start3A_72 : memref<1x!tpu.dma_semaphore, #tpu.memory_space<semaphore_mem>> -> memref<!tpu.dma_semaphore, #tpu.memory_space<semaphore_mem>>
    %dma_start3A_74 = arith.constant 0 : i32
    %dma_start3A_75 = tpu.memref_slice %arg4[%multiple_of3A_68, %dma_start3A_74] : memref<819200x128xf32, #tpu.memory_space<hbm>> -> memref<128x128xf32, #tpu.memory_space<hbm>>
    tpu.enqueue_dma source(%arg7 : memref<128x128xf32, #tpu.memory_space<vmem>>) target(%dma_start3A_75 : memref<128x128xf32, #tpu.memory_space<hbm>>) target_semaphore(%dma_start3A_73 : memref<!tpu.dma_semaphore, #tpu.memory_space<semaphore_mem>>)
    %dma_start3A_76 = arith.constant 5 : i32
    %dma_start3A_77 = arith.constant 640 : i32
    %dma_start3A_78 = tpu.memref_slice %arg5[%dma_start3A_77] : memref<25600xi32, #tpu.memory_space<vmem>> -> memref<128xi32, #tpu.memory_space<vmem>>
    %dma_start3A_79 = arith.constant 0 : i32
    %dma_start3A_80 = arith.constant 0 : i32
    %dma_start3A_81 = tpu.memref_slice %arg2[%dma_start3A_79, %dma_start3A_80] : memref<1000000x128xf32, #tpu.memory_space<hbm>> -> memref<1000000x128xf32, #tpu.memory_space<hbm>>
    %dma_start3A_82 = tpu.memref_slice %arg12[%dma_start3A_76] : memref<6x!tpu.dma_semaphore, #tpu.memory_space<semaphore_mem>> -> memref<1x!tpu.dma_semaphore, #tpu.memory_space<semaphore_mem>>
    %dma_start3A_83 = tpu.memref_squeeze %dma_start3A_82 : memref<1x!tpu.dma_semaphore, #tpu.memory_space<semaphore_mem>> -> memref<!tpu.dma_semaphore, #tpu.memory_space<semaphore_mem>>
    tpu.enqueue_indirect_dma source(%dma_start3A_81 : memref<1000000x128xf32, #tpu.memory_space<hbm>>) target(%arg11 : memref<128x128xf32, #tpu.memory_space<vmem>>) offsets(%dma_start3A_78 : memref<128xi32, #tpu.memory_space<vmem>>) semaphore(%dma_start3A_83 : memref<!tpu.dma_semaphore, #tpu.memory_space<semaphore_mem>>)
    %dma_wait3A_84 = arith.constant 2 : i32
    %dma_wait3A_85 = arith.constant 256 : i32
    %dma_wait3A_86 = tpu.memref_slice %arg5[%dma_wait3A_85] : memref<25600xi32, #tpu.memory_space<vmem>> -> memref<128xi32, #tpu.memory_space<vmem>>
    %dma_wait3A_87 = arith.constant 0 : i32
    %dma_wait3A_88 = arith.constant 0 : i32
    %dma_wait3A_89 = tpu.memref_slice %arg2[%dma_wait3A_87, %dma_wait3A_88] : memref<1000000x128xf32, #tpu.memory_space<hbm>> -> memref<1000000x128xf32, #tpu.memory_space<hbm>>
    %dma_wait3A_90 = tpu.memref_slice %arg12[%dma_wait3A_84] : memref<6x!tpu.dma_semaphore, #tpu.memory_space<semaphore_mem>> -> memref<1x!tpu.dma_semaphore, #tpu.memory_space<semaphore_mem>>
    %dma_wait3A_91 = tpu.memref_squeeze %dma_wait3A_90 : memref<1x!tpu.dma_semaphore, #tpu.memory_space<semaphore_mem>> -> memref<!tpu.dma_semaphore, #tpu.memory_space<semaphore_mem>>
    tpu.wait_indirect_dma semaphore(%dma_wait3A_91 : memref<!tpu.dma_semaphore, #tpu.memory_space<semaphore_mem>>) src(%dma_wait3A_89 : memref<1000000x128xf32, #tpu.memory_space<hbm>>) dst(%arg8 : memref<128x128xf32, #tpu.memory_space<vmem>>)
    %add3A_92 = arith.constant 256 : i32
    %add3A_93 = arith.addi %mul3A_2, %add3A_92 : i32
    %multiple_of3A_94 = tpu.assume_multiple %add3A_93, 128 : i32
    %dma_start3A_95 = arith.constant 2 : i32
    %dma_start3A_96 = arith.constant 0 : i32
    %dma_start3A_97 = tpu.memref_slice %arg4[%multiple_of3A_94, %dma_start3A_96] : memref<819200x128xf32, #tpu.memory_space<hbm>> -> memref<128x128xf32, #tpu.memory_space<hbm>>
    %dma_start3A_98 = tpu.memref_slice %arg13[%dma_start3A_95] : memref<6x!tpu.dma_semaphore, #tpu.memory_space<semaphore_mem>> -> memref<1x!tpu.dma_semaphore, #tpu.memory_space<semaphore_mem>>
    %dma_start3A_99 = tpu.memref_squeeze %dma_start3A_98 : memref<1x!tpu.dma_semaphore, #tpu.memory_space<semaphore_mem>> -> memref<!tpu.dma_semaphore, #tpu.memory_space<semaphore_mem>>
    %dma_start3A_100 = arith.constant 0 : i32
    %dma_start3A_101 = tpu.memref_slice %arg4[%multiple_of3A_94, %dma_start3A_100] : memref<819200x128xf32, #tpu.memory_space<hbm>> -> memref<128x128xf32, #tpu.memory_space<hbm>>
    tpu.enqueue_dma source(%arg8 : memref<128x128xf32, #tpu.memory_space<vmem>>) target(%dma_start3A_101 : memref<128x128xf32, #tpu.memory_space<hbm>>) target_semaphore(%dma_start3A_99 : memref<!tpu.dma_semaphore, #tpu.memory_space<semaphore_mem>>)
    %multiple_of3A_102 = tpu.assume_multiple %mul3A_2, 128 : i32
    %dma_wait3A_103 = arith.constant 0 : i32
    %dma_wait3A_104 = arith.constant 0 : i32
    %dma_wait3A_105 = tpu.memref_slice %arg4[%multiple_of3A_102, %dma_wait3A_104] : memref<819200x128xf32, #tpu.memory_space<hbm>> -> memref<128x128xf32, #tpu.memory_space<hbm>>
    %dma_wait3A_106 = tpu.memref_slice %arg13[%dma_wait3A_103] : memref<6x!tpu.dma_semaphore, #tpu.memory_space<semaphore_mem>> -> memref<1x!tpu.dma_semaphore, #tpu.memory_space<semaphore_mem>>
    %dma_wait3A_107 = tpu.memref_squeeze %dma_wait3A_106 : memref<1x!tpu.dma_semaphore, #tpu.memory_space<semaphore_mem>> -> memref<!tpu.dma_semaphore, #tpu.memory_space<semaphore_mem>>
    %dma_wait3A_108 = arith.constant 0 : i32
    %dma_wait3A_109 = tpu.memref_slice %arg4[%multiple_of3A_102, %dma_wait3A_108] : memref<819200x128xf32, #tpu.memory_space<hbm>> -> memref<128x128xf32, #tpu.memory_space<hbm>>
    tpu.wait_dma2 semaphore(%dma_wait3A_107 : memref<!tpu.dma_semaphore, #tpu.memory_space<semaphore_mem>>) src(%arg6 : memref<128x128xf32, #tpu.memory_space<vmem>>) dst(%dma_wait3A_109 : memref<128x128xf32, #tpu.memory_space<hbm>>)
    %dma_start3A_110 = arith.constant 0 : i32
    %dma_start3A_111 = arith.constant 768 : i32
    %dma_start3A_112 = tpu.memref_slice %arg5[%dma_start3A_111] : memref<25600xi32, #tpu.memory_space<vmem>> -> memref<128xi32, #tpu.memory_space<vmem>>
    %dma_start3A_113 = arith.constant 0 : i32
    %dma_start3A_114 = arith.constant 0 : i32
    %dma_start3A_115 = tpu.memref_slice %arg2[%dma_start3A_113, %dma_start3A_114] : memref<1000000x128xf32, #tpu.memory_space<hbm>> -> memref<1000000x128xf32, #tpu.memory_space<hbm>>
    %dma_start3A_116 = tpu.memref_slice %arg12[%dma_start3A_110] : memref<6x!tpu.dma_semaphore, #tpu.memory_space<semaphore_mem>> -> memref<1x!tpu.dma_semaphore, #tpu.memory_space<semaphore_mem>>
    %dma_start3A_117 = tpu.memref_squeeze %dma_start3A_116 : memref<1x!tpu.dma_semaphore, #tpu.memory_space<semaphore_mem>> -> memref<!tpu.dma_semaphore, #tpu.memory_space<semaphore_mem>>
    tpu.enqueue_indirect_dma source(%dma_start3A_115 : memref<1000000x128xf32, #tpu.memory_space<hbm>>) target(%arg6 : memref<128x128xf32, #tpu.memory_space<vmem>>) offsets(%dma_start3A_112 : memref<128xi32, #tpu.memory_space<vmem>>) semaphore(%dma_start3A_117 : memref<!tpu.dma_semaphore, #tpu.memory_space<semaphore_mem>>)
    %dma_wait3A_118 = arith.constant 3 : i32
    %dma_wait3A_119 = arith.constant 384 : i32
    %dma_wait3A_120 = tpu.memref_slice %arg5[%dma_wait3A_119] : memref<25600xi32, #tpu.memory_space<vmem>> -> memref<128xi32, #tpu.memory_space<vmem>>
    %dma_wait3A_121 = arith.constant 0 : i32
    %dma_wait3A_122 = arith.constant 0 : i32
    %dma_wait3A_123 = tpu.memref_slice %arg2[%dma_wait3A_121, %dma_wait3A_122] : memref<1000000x128xf32, #tpu.memory_space<hbm>> -> memref<1000000x128xf32, #tpu.memory_space<hbm>>
    %dma_wait3A_124 = tpu.memref_slice %arg12[%dma_wait3A_118] : memref<6x!tpu.dma_semaphore, #tpu.memory_space<semaphore_mem>> -> memref<1x!tpu.dma_semaphore, #tpu.memory_space<semaphore_mem>>
    %dma_wait3A_125 = tpu.memref_squeeze %dma_wait3A_124 : memref<1x!tpu.dma_semaphore, #tpu.memory_space<semaphore_mem>> -> memref<!tpu.dma_semaphore, #tpu.memory_space<semaphore_mem>>
    tpu.wait_indirect_dma semaphore(%dma_wait3A_125 : memref<!tpu.dma_semaphore, #tpu.memory_space<semaphore_mem>>) src(%dma_wait3A_123 : memref<1000000x128xf32, #tpu.memory_space<hbm>>) dst(%arg9 : memref<128x128xf32, #tpu.memory_space<vmem>>)
    %add3A_126 = arith.constant 384 : i32
    %add3A_127 = arith.addi %mul3A_2, %add3A_126 : i32
    %multiple_of3A_128 = tpu.assume_multiple %add3A_127, 128 : i32
    %dma_start3A_129 = arith.constant 3 : i32
    %dma_start3A_130 = arith.constant 0 : i32
    %dma_start3A_131 = tpu.memref_slice %arg4[%multiple_of3A_128, %dma_start3A_130] : memref<819200x128xf32, #tpu.memory_space<hbm>> -> memref<128x128xf32, #tpu.memory_space<hbm>>
    %dma_start3A_132 = tpu.memref_slice %arg13[%dma_start3A_129] : memref<6x!tpu.dma_semaphore, #tpu.memory_space<semaphore_mem>> -> memref<1x!tpu.dma_semaphore, #tpu.memory_space<semaphore_mem>>
    %dma_start3A_133 = tpu.memref_squeeze %dma_start3A_132 : memref<1x!tpu.dma_semaphore, #tpu.memory_space<semaphore_mem>> -> memref<!tpu.dma_semaphore, #tpu.memory_space<semaphore_mem>>
    %dma_start3A_134 = arith.constant 0 : i32
    %dma_start3A_135 = tpu.memref_slice %arg4[%multiple_of3A_128, %dma_start3A_134] : memref<819200x128xf32, #tpu.memory_space<hbm>> -> memref<128x128xf32, #tpu.memory_space<hbm>>
    tpu.enqueue_dma source(%arg9 : memref<128x128xf32, #tpu.memory_space<vmem>>) target(%dma_start3A_135 : memref<128x128xf32, #tpu.memory_space<hbm>>) target_semaphore(%dma_start3A_133 : memref<!tpu.dma_semaphore, #tpu.memory_space<semaphore_mem>>)
    %multiple_of3A_136 = tpu.assume_multiple %mul3A_2, 128 : i32
    %dma_wait3A_137 = arith.constant 1 : i32
    %dma_wait3A_138 = arith.constant 0 : i32
    %dma_wait3A_139 = tpu.memref_slice %arg4[%multiple_of3A_136, %dma_wait3A_138] : memref<819200x128xf32, #tpu.memory_space<hbm>> -> memref<128x128xf32, #tpu.memory_space<hbm>>
    %dma_wait3A_140 = tpu.memref_slice %arg13[%dma_wait3A_137] : memref<6x!tpu.dma_semaphore, #tpu.memory_space<semaphore_mem>> -> memref<1x!tpu.dma_semaphore, #tpu.memory_space<semaphore_mem>>
    %dma_wait3A_141 = tpu.memref_squeeze %dma_wait3A_140 : memref<1x!tpu.dma_semaphore, #tpu.memory_space<semaphore_mem>> -> memref<!tpu.dma_semaphore, #tpu.memory_space<semaphore_mem>>
    %dma_wait3A_142 = arith.constant 0 : i32
    %dma_wait3A_143 = tpu.memref_slice %arg4[%multiple_of3A_136, %dma_wait3A_142] : memref<819200x128xf32, #tpu.memory_space<hbm>> -> memref<128x128xf32, #tpu.memory_space<hbm>>
    tpu.wait_dma2 semaphore(%dma_wait3A_141 : memref<!tpu.dma_semaphore, #tpu.memory_space<semaphore_mem>>) src(%arg7 : memref<128x128xf32, #tpu.memory_space<vmem>>) dst(%dma_wait3A_143 : memref<128x128xf32, #tpu.memory_space<hbm>>)
    %dma_start3A_144 = arith.constant 1 : i32
    %dma_start3A_145 = arith.constant 896 : i32
    %dma_start3A_146 = tpu.memref_slice %arg5[%dma_start3A_145] : memref<25600xi32, #tpu.memory_space<vmem>> -> memref<128xi32, #tpu.memory_space<vmem>>
    %dma_start3A_147 = arith.constant 0 : i32
    %dma_start3A_148 = arith.constant 0 : i32
    %dma_start3A_149 = tpu.memref_slice %arg2[%dma_start3A_147, %dma_start3A_148] : memref<1000000x128xf32, #tpu.memory_space<hbm>> -> memref<1000000x128xf32, #tpu.memory_space<hbm>>
    %dma_start3A_150 = tpu.memref_slice %arg12[%dma_start3A_144] : memref<6x!tpu.dma_semaphore, #tpu.memory_space<semaphore_mem>> -> memref<1x!tpu.dma_semaphore, #tpu.memory_space<semaphore_mem>>
    %dma_start3A_151 = tpu.memref_squeeze %dma_start3A_150 : memref<1x!tpu.dma_semaphore, #tpu.memory_space<semaphore_mem>> -> memref<!tpu.dma_semaphore, #tpu.memory_space<semaphore_mem>>
    tpu.enqueue_indirect_dma source(%dma_start3A_149 : memref<1000000x128xf32, #tpu.memory_space<hbm>>) target(%arg7 : memref<128x128xf32, #tpu.memory_space<vmem>>) offsets(%dma_start3A_146 : memref<128xi32, #tpu.memory_space<vmem>>) semaphore(%dma_start3A_151 : memref<!tpu.dma_semaphore, #tpu.memory_space<semaphore_mem>>)
    %dma_wait3A_152 = arith.constant 4 : i32
    %dma_wait3A_153 = arith.constant 512 : i32
    %dma_wait3A_154 = tpu.memref_slice %arg5[%dma_wait3A_153] : memref<25600xi32, #tpu.memory_space<vmem>> -> memref<128xi32, #tpu.memory_space<vmem>>
    %dma_wait3A_155 = arith.constant 0 : i32
    %dma_wait3A_156 = arith.constant 0 : i32
    %dma_wait3A_157 = tpu.memref_slice %arg2[%dma_wait3A_155, %dma_wait3A_156] : memref<1000000x128xf32, #tpu.memory_space<hbm>> -> memref<1000000x128xf32, #tpu.memory_space<hbm>>
    %dma_wait3A_158 = tpu.memref_slice %arg12[%dma_wait3A_152] : memref<6x!tpu.dma_semaphore, #tpu.memory_space<semaphore_mem>> -> memref<1x!tpu.dma_semaphore, #tpu.memory_space<semaphore_mem>>
    %dma_wait3A_159 = tpu.memref_squeeze %dma_wait3A_158 : memref<1x!tpu.dma_semaphore, #tpu.memory_space<semaphore_mem>> -> memref<!tpu.dma_semaphore, #tpu.memory_space<semaphore_mem>>
    tpu.wait_indirect_dma semaphore(%dma_wait3A_159 : memref<!tpu.dma_semaphore, #tpu.memory_space<semaphore_mem>>) src(%dma_wait3A_157 : memref<1000000x128xf32, #tpu.memory_space<hbm>>) dst(%arg10 : memref<128x128xf32, #tpu.memory_space<vmem>>)
    %add3A_160 = arith.constant 512 : i32
    %add3A_161 = arith.addi %mul3A_2, %add3A_160 : i32
    %multiple_of3A_162 = tpu.assume_multiple %add3A_161, 128 : i32
    %dma_start3A_163 = arith.constant 4 : i32
    %dma_start3A_164 = arith.constant 0 : i32
    %dma_start3A_165 = tpu.memref_slice %arg4[%multiple_of3A_162, %dma_start3A_164] : memref<819200x128xf32, #tpu.memory_space<hbm>> -> memref<128x128xf32, #tpu.memory_space<hbm>>
    %dma_start3A_166 = tpu.memref_slice %arg13[%dma_start3A_163] : memref<6x!tpu.dma_semaphore, #tpu.memory_space<semaphore_mem>> -> memref<1x!tpu.dma_semaphore, #tpu.memory_space<semaphore_mem>>
    %dma_start3A_167 = tpu.memref_squeeze %dma_start3A_166 : memref<1x!tpu.dma_semaphore, #tpu.memory_space<semaphore_mem>> -> memref<!tpu.dma_semaphore, #tpu.memory_space<semaphore_mem>>
    %dma_start3A_168 = arith.constant 0 : i32
    %dma_start3A_169 = tpu.memref_slice %arg4[%multiple_of3A_162, %dma_start3A_168] : memref<819200x128xf32, #tpu.memory_space<hbm>> -> memref<128x128xf32, #tpu.memory_space<hbm>>
    tpu.enqueue_dma source(%arg10 : memref<128x128xf32, #tpu.memory_space<vmem>>) target(%dma_start3A_169 : memref<128x128xf32, #tpu.memory_space<hbm>>) target_semaphore(%dma_start3A_167 : memref<!tpu.dma_semaphore, #tpu.memory_space<semaphore_mem>>)
    %multiple_of3A_170 = tpu.assume_multiple %mul3A_2, 128 : i32
    %dma_wait3A_171 = arith.constant 2 : i32
    %dma_wait3A_172 = arith.constant 0 : i32
    %dma_wait3A_173 = tpu.memref_slice %arg4[%multiple_of3A_170, %dma_wait3A_172] : memref<819200x128xf32, #tpu.memory_space<hbm>> -> memref<128x128xf32, #tpu.memory_space<hbm>>
    %dma_wait3A_174 = tpu.memref_slice %arg13[%dma_wait3A_171] : memref<6x!tpu.dma_semaphore, #tpu.memory_space<semaphore_mem>> -> memref<1x!tpu.dma_semaphore, #tpu.memory_space<semaphore_mem>>
    %dma_wait3A_175 = tpu.memref_squeeze %dma_wait3A_174 : memref<1x!tpu.dma_semaphore, #tpu.memory_space<semaphore_mem>> -> memref<!tpu.dma_semaphore, #tpu.memory_space<semaphore_mem>>
    %dma_wait3A_176 = arith.constant 0 : i32
    %dma_wait3A_177 = tpu.memref_slice %arg4[%multiple_of3A_170, %dma_wait3A_176] : memref<819200x128xf32, #tpu.memory_space<hbm>> -> memref<128x128xf32, #tpu.memory_space<hbm>>
    tpu.wait_dma2 semaphore(%dma_wait3A_175 : memref<!tpu.dma_semaphore, #tpu.memory_space<semaphore_mem>>) src(%arg8 : memref<128x128xf32, #tpu.memory_space<vmem>>) dst(%dma_wait3A_177 : memref<128x128xf32, #tpu.memory_space<hbm>>)
    %dma_start3A_178 = arith.constant 2 : i32
    %dma_start3A_179 = arith.constant 1024 : i32
    %dma_start3A_180 = tpu.memref_slice %arg5[%dma_start3A_179] : memref<25600xi32, #tpu.memory_space<vmem>> -> memref<128xi32, #tpu.memory_space<vmem>>
    %dma_start3A_181 = arith.constant 0 : i32
    %dma_start3A_182 = arith.constant 0 : i32
    %dma_start3A_183 = tpu.memref_slice %arg2[%dma_start3A_181, %dma_start3A_182] : memref<1000000x128xf32, #tpu.memory_space<hbm>> -> memref<1000000x128xf32, #tpu.memory_space<hbm>>
    %dma_start3A_184 = tpu.memref_slice %arg12[%dma_start3A_178] : memref<6x!tpu.dma_semaphore, #tpu.memory_space<semaphore_mem>> -> memref<1x!tpu.dma_semaphore, #tpu.memory_space<semaphore_mem>>
    %dma_start3A_185 = tpu.memref_squeeze %dma_start3A_184 : memref<1x!tpu.dma_semaphore, #tpu.memory_space<semaphore_mem>> -> memref<!tpu.dma_semaphore, #tpu.memory_space<semaphore_mem>>
    tpu.enqueue_indirect_dma source(%dma_start3A_183 : memref<1000000x128xf32, #tpu.memory_space<hbm>>) target(%arg8 : memref<128x128xf32, #tpu.memory_space<vmem>>) offsets(%dma_start3A_180 : memref<128xi32, #tpu.memory_space<vmem>>) semaphore(%dma_start3A_185 : memref<!tpu.dma_semaphore, #tpu.memory_space<semaphore_mem>>)
    %dma_wait3A_186 = arith.constant 5 : i32
    %dma_wait3A_187 = arith.constant 640 : i32
    %dma_wait3A_188 = tpu.memref_slice %arg5[%dma_wait3A_187] : memref<25600xi32, #tpu.memory_space<vmem>> -> memref<128xi32, #tpu.memory_space<vmem>>
    %dma_wait3A_189 = arith.constant 0 : i32
    %dma_wait3A_190 = arith.constant 0 : i32
    %dma_wait3A_191 = tpu.memref_slice %arg2[%dma_wait3A_189, %dma_wait3A_190] : memref<1000000x128xf32, #tpu.memory_space<hbm>> -> memref<1000000x128xf32, #tpu.memory_space<hbm>>
    %dma_wait3A_192 = tpu.memref_slice %arg12[%dma_wait3A_186] : memref<6x!tpu.dma_semaphore, #tpu.memory_space<semaphore_mem>> -> memref<1x!tpu.dma_semaphore, #tpu.memory_space<semaphore_mem>>
    %dma_wait3A_193 = tpu.memref_squeeze %dma_wait3A_192 : memref<1x!tpu.dma_semaphore, #tpu.memory_space<semaphore_mem>> -> memref<!tpu.dma_semaphore, #tpu.memory_space<semaphore_mem>>
    tpu.wait_indirect_dma semaphore(%dma_wait3A_193 : memref<!tpu.dma_semaphore, #tpu.memory_space<semaphore_mem>>) src(%dma_wait3A_191 : memref<1000000x128xf32, #tpu.memory_space<hbm>>) dst(%arg11 : memref<128x128xf32, #tpu.memory_space<vmem>>)
    %add3A_194 = arith.constant 640 : i32
    %add3A_195 = arith.addi %mul3A_2, %add3A_194 : i32
    %multiple_of3A_196 = tpu.assume_multiple %add3A_195, 128 : i32
    %dma_start3A_197 = arith.constant 5 : i32
    %dma_start3A_198 = arith.constant 0 : i32
    %dma_start3A_199 = tpu.memref_slice %arg4[%multiple_of3A_196, %dma_start3A_198] : memref<819200x128xf32, #tpu.memory_space<hbm>> -> memref<128x128xf32, #tpu.memory_space<hbm>>
    %dma_start3A_200 = tpu.memref_slice %arg13[%dma_start3A_197] : memref<6x!tpu.dma_semaphore, #tpu.memory_space<semaphore_mem>> -> memref<1x!tpu.dma_semaphore, #tpu.memory_space<semaphore_mem>>
    %dma_start3A_201 = tpu.memref_squeeze %dma_start3A_200 : memref<1x!tpu.dma_semaphore, #tpu.memory_space<semaphore_mem>> -> memref<!tpu.dma_semaphore, #tpu.memory_space<semaphore_mem>>
    %dma_start3A_202 = arith.constant 0 : i32
    %dma_start3A_203 = tpu.memref_slice %arg4[%multiple_of3A_196, %dma_start3A_202] : memref<819200x128xf32, #tpu.memory_space<hbm>> -> memref<128x128xf32, #tpu.memory_space<hbm>>
    tpu.enqueue_dma source(%arg11 : memref<128x128xf32, #tpu.memory_space<vmem>>) target(%dma_start3A_203 : memref<128x128xf32, #tpu.memory_space<hbm>>) target_semaphore(%dma_start3A_201 : memref<!tpu.dma_semaphore, #tpu.memory_space<semaphore_mem>>)
    %scan3A = arith.constant 0 : i32
    %scan3A_204 = arith.constant 31 : i32
    %scan3A_205 = arith.addi %scan3A, %scan3A_204 : i32
    %scan3A_206 = arith.constant 1 : i32
    scf.for %scan3A_480 = %scan3A to %scan3A_205 step %scan3A_206  : i32 {
      %mul3A_481 = arith.constant 1 : i32
      %mul3A_482 = arith.muli %scan3A_480, %mul3A_481 : i32
      %add3A_483 = arith.constant 0 : i32
      %add3A_484 = arith.addi %add3A_483, %mul3A_482 : i32
      %mul3A_485 = arith.constant 6 : i32
      %mul3A_486 = arith.muli %add3A_484, %mul3A_485 : i32
      %add3A_487 = arith.constant 6 : i32
      %add3A_488 = arith.addi %add3A_487, %mul3A_486 : i32
      %add3A_489 = arith.constant 0 : i32
      %add3A_490 = arith.addi %add3A_488, %add3A_489 : i32
      %add3A_491 = arith.constant 3 : i32
      %add3A_492 = arith.addi %add3A_490, %add3A_491 : i32
      %multiple_of3A_493 = tpu.assume_multiple %mul3A_2, 128 : i32
      %dma_wait3A_494 = arith.constant 3 : i32
      %dma_wait3A_495 = arith.constant 0 : i32
      %dma_wait3A_496 = tpu.memref_slice %arg4[%multiple_of3A_493, %dma_wait3A_495] : memref<819200x128xf32, #tpu.memory_space<hbm>> -> memref<128x128xf32, #tpu.memory_space<hbm>>
      %dma_wait3A_497 = tpu.memref_slice %arg13[%dma_wait3A_494] : memref<6x!tpu.dma_semaphore, #tpu.memory_space<semaphore_mem>> -> memref<1x!tpu.dma_semaphore, #tpu.memory_space<semaphore_mem>>
      %dma_wait3A_498 = tpu.memref_squeeze %dma_wait3A_497 : memref<1x!tpu.dma_semaphore, #tpu.memory_space<semaphore_mem>> -> memref<!tpu.dma_semaphore, #tpu.memory_space<semaphore_mem>>
      %dma_wait3A_499 = arith.constant 0 : i32
      %dma_wait3A_500 = tpu.memref_slice %arg4[%multiple_of3A_493, %dma_wait3A_499] : memref<819200x128xf32, #tpu.memory_space<hbm>> -> memref<128x128xf32, #tpu.memory_space<hbm>>
      tpu.wait_dma2 semaphore(%dma_wait3A_498 : memref<!tpu.dma_semaphore, #tpu.memory_space<semaphore_mem>>) src(%arg9 : memref<128x128xf32, #tpu.memory_space<vmem>>) dst(%dma_wait3A_500 : memref<128x128xf32, #tpu.memory_space<hbm>>)
      %mul3A_501 = arith.constant 128 : i32
      %mul3A_502 = arith.muli %add3A_492, %mul3A_501 : i32
      %dma_start3A_503 = arith.constant 3 : i32
      %dma_start3A_504 = tpu.memref_slice %arg5[%mul3A_502] : memref<25600xi32, #tpu.memory_space<vmem>> -> memref<128xi32, #tpu.memory_space<vmem>>
      %dma_start3A_505 = arith.constant 0 : i32
      %dma_start3A_506 = arith.constant 0 : i32
      %dma_start3A_507 = tpu.memref_slice %arg2[%dma_start3A_505, %dma_start3A_506] : memref<1000000x128xf32, #tpu.memory_space<hbm>> -> memref<1000000x128xf32, #tpu.memory_space<hbm>>
      %dma_start3A_508 = tpu.memref_slice %arg12[%dma_start3A_503] : memref<6x!tpu.dma_semaphore, #tpu.memory_space<semaphore_mem>> -> memref<1x!tpu.dma_semaphore, #tpu.memory_space<semaphore_mem>>
      %dma_start3A_509 = tpu.memref_squeeze %dma_start3A_508 : memref<1x!tpu.dma_semaphore, #tpu.memory_space<semaphore_mem>> -> memref<!tpu.dma_semaphore, #tpu.memory_space<semaphore_mem>>
      tpu.enqueue_indirect_dma source(%dma_start3A_507 : memref<1000000x128xf32, #tpu.memory_space<hbm>>) target(%arg9 : memref<128x128xf32, #tpu.memory_space<vmem>>) offsets(%dma_start3A_504 : memref<128xi32, #tpu.memory_space<vmem>>) semaphore(%dma_start3A_509 : memref<!tpu.dma_semaphore, #tpu.memory_space<semaphore_mem>>)
      %add3A_510 = arith.constant 0 : i32
      %add3A_511 = arith.addi %add3A_488, %add3A_510 : i32
      %mul3A_512 = arith.constant 128 : i32
      %mul3A_513 = arith.muli %add3A_511, %mul3A_512 : i32
      %dma_wait3A_514 = arith.constant 0 : i32
      %dma_wait3A_515 = tpu.memref_slice %arg5[%mul3A_513] : memref<25600xi32, #tpu.memory_space<vmem>> -> memref<128xi32, #tpu.memory_space<vmem>>
      %dma_wait3A_516 = arith.constant 0 : i32
      %dma_wait3A_517 = arith.constant 0 : i32
      %dma_wait3A_518 = tpu.memref_slice %arg2[%dma_wait3A_516, %dma_wait3A_517] : memref<1000000x128xf32, #tpu.memory_space<hbm>> -> memref<1000000x128xf32, #tpu.memory_space<hbm>>
      %dma_wait3A_519 = tpu.memref_slice %arg12[%dma_wait3A_514] : memref<6x!tpu.dma_semaphore, #tpu.memory_space<semaphore_mem>> -> memref<1x!tpu.dma_semaphore, #tpu.memory_space<semaphore_mem>>
      %dma_wait3A_520 = tpu.memref_squeeze %dma_wait3A_519 : memref<1x!tpu.dma_semaphore, #tpu.memory_space<semaphore_mem>> -> memref<!tpu.dma_semaphore, #tpu.memory_space<semaphore_mem>>
      tpu.wait_indirect_dma semaphore(%dma_wait3A_520 : memref<!tpu.dma_semaphore, #tpu.memory_space<semaphore_mem>>) src(%dma_wait3A_518 : memref<1000000x128xf32, #tpu.memory_space<hbm>>) dst(%arg6 : memref<128x128xf32, #tpu.memory_space<vmem>>)
      %mul3A_521 = arith.constant 128 : i32
      %mul3A_522 = arith.muli %add3A_511, %mul3A_521 : i32
      %add3A_523 = arith.addi %mul3A_2, %mul3A_522 : i32
      %multiple_of3A_524 = tpu.assume_multiple %add3A_523, 128 : i32
      %dma_start3A_525 = arith.constant 0 : i32
      %dma_start3A_526 = arith.constant 0 : i32
      %dma_start3A_527 = tpu.memref_slice %arg4[%multiple_of3A_524, %dma_start3A_526] : memref<819200x128xf32, #tpu.memory_space<hbm>> -> memref<128x128xf32, #tpu.memory_space<hbm>>
      %dma_start3A_528 = tpu.memref_slice %arg13[%dma_start3A_525] : memref<6x!tpu.dma_semaphore, #tpu.memory_space<semaphore_mem>> -> memref<1x!tpu.dma_semaphore, #tpu.memory_space<semaphore_mem>>
      %dma_start3A_529 = tpu.memref_squeeze %dma_start3A_528 : memref<1x!tpu.dma_semaphore, #tpu.memory_space<semaphore_mem>> -> memref<!tpu.dma_semaphore, #tpu.memory_space<semaphore_mem>>
      %dma_start3A_530 = arith.constant 0 : i32
      %dma_start3A_531 = tpu.memref_slice %arg4[%multiple_of3A_524, %dma_start3A_530] : memref<819200x128xf32, #tpu.memory_space<hbm>> -> memref<128x128xf32, #tpu.memory_space<hbm>>
      tpu.enqueue_dma source(%arg6 : memref<128x128xf32, #tpu.memory_space<vmem>>) target(%dma_start3A_531 : memref<128x128xf32, #tpu.memory_space<hbm>>) target_semaphore(%dma_start3A_529 : memref<!tpu.dma_semaphore, #tpu.memory_space<semaphore_mem>>)
      %add3A_532 = arith.constant 1 : i32
      %add3A_533 = arith.addi %add3A_488, %add3A_532 : i32
      %add3A_534 = arith.constant 3 : i32
      %add3A_535 = arith.addi %add3A_533, %add3A_534 : i32
      %multiple_of3A_536 = tpu.assume_multiple %mul3A_2, 128 : i32
      %dma_wait3A_537 = arith.constant 4 : i32
      %dma_wait3A_538 = arith.constant 0 : i32
      %dma_wait3A_539 = tpu.memref_slice %arg4[%multiple_of3A_536, %dma_wait3A_538] : memref<819200x128xf32, #tpu.memory_space<hbm>> -> memref<128x128xf32, #tpu.memory_space<hbm>>
      %dma_wait3A_540 = tpu.memref_slice %arg13[%dma_wait3A_537] : memref<6x!tpu.dma_semaphore, #tpu.memory_space<semaphore_mem>> -> memref<1x!tpu.dma_semaphore, #tpu.memory_space<semaphore_mem>>
      %dma_wait3A_541 = tpu.memref_squeeze %dma_wait3A_540 : memref<1x!tpu.dma_semaphore, #tpu.memory_space<semaphore_mem>> -> memref<!tpu.dma_semaphore, #tpu.memory_space<semaphore_mem>>
      %dma_wait3A_542 = arith.constant 0 : i32
      %dma_wait3A_543 = tpu.memref_slice %arg4[%multiple_of3A_536, %dma_wait3A_542] : memref<819200x128xf32, #tpu.memory_space<hbm>> -> memref<128x128xf32, #tpu.memory_space<hbm>>
      tpu.wait_dma2 semaphore(%dma_wait3A_541 : memref<!tpu.dma_semaphore, #tpu.memory_space<semaphore_mem>>) src(%arg10 : memref<128x128xf32, #tpu.memory_space<vmem>>) dst(%dma_wait3A_543 : memref<128x128xf32, #tpu.memory_space<hbm>>)
      %mul3A_544 = arith.constant 128 : i32
      %mul3A_545 = arith.muli %add3A_535, %mul3A_544 : i32
      %dma_start3A_546 = arith.constant 4 : i32
      %dma_start3A_547 = tpu.memref_slice %arg5[%mul3A_545] : memref<25600xi32, #tpu.memory_space<vmem>> -> memref<128xi32, #tpu.memory_space<vmem>>
      %dma_start3A_548 = arith.constant 0 : i32
      %dma_start3A_549 = arith.constant 0 : i32
      %dma_start3A_550 = tpu.memref_slice %arg2[%dma_start3A_548, %dma_start3A_549] : memref<1000000x128xf32, #tpu.memory_space<hbm>> -> memref<1000000x128xf32, #tpu.memory_space<hbm>>
      %dma_start3A_551 = tpu.memref_slice %arg12[%dma_start3A_546] : memref<6x!tpu.dma_semaphore, #tpu.memory_space<semaphore_mem>> -> memref<1x!tpu.dma_semaphore, #tpu.memory_space<semaphore_mem>>
      %dma_start3A_552 = tpu.memref_squeeze %dma_start3A_551 : memref<1x!tpu.dma_semaphore, #tpu.memory_space<semaphore_mem>> -> memref<!tpu.dma_semaphore, #tpu.memory_space<semaphore_mem>>
      tpu.enqueue_indirect_dma source(%dma_start3A_550 : memref<1000000x128xf32, #tpu.memory_space<hbm>>) target(%arg10 : memref<128x128xf32, #tpu.memory_space<vmem>>) offsets(%dma_start3A_547 : memref<128xi32, #tpu.memory_space<vmem>>) semaphore(%dma_start3A_552 : memref<!tpu.dma_semaphore, #tpu.memory_space<semaphore_mem>>)
      %add3A_553 = arith.constant 1 : i32
      %add3A_554 = arith.addi %add3A_488, %add3A_553 : i32
      %mul3A_555 = arith.constant 128 : i32
      %mul3A_556 = arith.muli %add3A_554, %mul3A_555 : i32
      %dma_wait3A_557 = arith.constant 1 : i32
      %dma_wait3A_558 = tpu.memref_slice %arg5[%mul3A_556] : memref<25600xi32, #tpu.memory_space<vmem>> -> memref<128xi32, #tpu.memory_space<vmem>>
      %dma_wait3A_559 = arith.constant 0 : i32
      %dma_wait3A_560 = arith.constant 0 : i32
      %dma_wait3A_561 = tpu.memref_slice %arg2[%dma_wait3A_559, %dma_wait3A_560] : memref<1000000x128xf32, #tpu.memory_space<hbm>> -> memref<1000000x128xf32, #tpu.memory_space<hbm>>
      %dma_wait3A_562 = tpu.memref_slice %arg12[%dma_wait3A_557] : memref<6x!tpu.dma_semaphore, #tpu.memory_space<semaphore_mem>> -> memref<1x!tpu.dma_semaphore, #tpu.memory_space<semaphore_mem>>
      %dma_wait3A_563 = tpu.memref_squeeze %dma_wait3A_562 : memref<1x!tpu.dma_semaphore, #tpu.memory_space<semaphore_mem>> -> memref<!tpu.dma_semaphore, #tpu.memory_space<semaphore_mem>>
      tpu.wait_indirect_dma semaphore(%dma_wait3A_563 : memref<!tpu.dma_semaphore, #tpu.memory_space<semaphore_mem>>) src(%dma_wait3A_561 : memref<1000000x128xf32, #tpu.memory_space<hbm>>) dst(%arg7 : memref<128x128xf32, #tpu.memory_space<vmem>>)
      %mul3A_564 = arith.constant 128 : i32
      %mul3A_565 = arith.muli %add3A_554, %mul3A_564 : i32
      %add3A_566 = arith.addi %mul3A_2, %mul3A_565 : i32
      %multiple_of3A_567 = tpu.assume_multiple %add3A_566, 128 : i32
      %dma_start3A_568 = arith.constant 1 : i32
      %dma_start3A_569 = arith.constant 0 : i32
      %dma_start3A_570 = tpu.memref_slice %arg4[%multiple_of3A_567, %dma_start3A_569] : memref<819200x128xf32, #tpu.memory_space<hbm>> -> memref<128x128xf32, #tpu.memory_space<hbm>>
      %dma_start3A_571 = tpu.memref_slice %arg13[%dma_start3A_568] : memref<6x!tpu.dma_semaphore, #tpu.memory_space<semaphore_mem>> -> memref<1x!tpu.dma_semaphore, #tpu.memory_space<semaphore_mem>>
      %dma_start3A_572 = tpu.memref_squeeze %dma_start3A_571 : memref<1x!tpu.dma_semaphore, #tpu.memory_space<semaphore_mem>> -> memref<!tpu.dma_semaphore, #tpu.memory_space<semaphore_mem>>
      %dma_start3A_573 = arith.constant 0 : i32
      %dma_start3A_574 = tpu.memref_slice %arg4[%multiple_of3A_567, %dma_start3A_573] : memref<819200x128xf32, #tpu.memory_space<hbm>> -> memref<128x128xf32, #tpu.memory_space<hbm>>
      tpu.enqueue_dma source(%arg7 : memref<128x128xf32, #tpu.memory_space<vmem>>) target(%dma_start3A_574 : memref<128x128xf32, #tpu.memory_space<hbm>>) target_semaphore(%dma_start3A_572 : memref<!tpu.dma_semaphore, #tpu.memory_space<semaphore_mem>>)
      %add3A_575 = arith.constant 2 : i32
      %add3A_576 = arith.addi %add3A_488, %add3A_575 : i32
      %add3A_577 = arith.constant 3 : i32
      %add3A_578 = arith.addi %add3A_576, %add3A_577 : i32
      %multiple_of3A_579 = tpu.assume_multiple %mul3A_2, 128 : i32
      %dma_wait3A_580 = arith.constant 5 : i32
      %dma_wait3A_581 = arith.constant 0 : i32
      %dma_wait3A_582 = tpu.memref_slice %arg4[%multiple_of3A_579, %dma_wait3A_581] : memref<819200x128xf32, #tpu.memory_space<hbm>> -> memref<128x128xf32, #tpu.memory_space<hbm>>
      %dma_wait3A_583 = tpu.memref_slice %arg13[%dma_wait3A_580] : memref<6x!tpu.dma_semaphore, #tpu.memory_space<semaphore_mem>> -> memref<1x!tpu.dma_semaphore, #tpu.memory_space<semaphore_mem>>
      %dma_wait3A_584 = tpu.memref_squeeze %dma_wait3A_583 : memref<1x!tpu.dma_semaphore, #tpu.memory_space<semaphore_mem>> -> memref<!tpu.dma_semaphore, #tpu.memory_space<semaphore_mem>>
      %dma_wait3A_585 = arith.constant 0 : i32
      %dma_wait3A_586 = tpu.memref_slice %arg4[%multiple_of3A_579, %dma_wait3A_585] : memref<819200x128xf32, #tpu.memory_space<hbm>> -> memref<128x128xf32, #tpu.memory_space<hbm>>
      tpu.wait_dma2 semaphore(%dma_wait3A_584 : memref<!tpu.dma_semaphore, #tpu.memory_space<semaphore_mem>>) src(%arg11 : memref<128x128xf32, #tpu.memory_space<vmem>>) dst(%dma_wait3A_586 : memref<128x128xf32, #tpu.memory_space<hbm>>)
      %mul3A_587 = arith.constant 128 : i32
      %mul3A_588 = arith.muli %add3A_578, %mul3A_587 : i32
      %dma_start3A_589 = arith.constant 5 : i32
      %dma_start3A_590 = tpu.memref_slice %arg5[%mul3A_588] : memref<25600xi32, #tpu.memory_space<vmem>> -> memref<128xi32, #tpu.memory_space<vmem>>
      %dma_start3A_591 = arith.constant 0 : i32
      %dma_start3A_592 = arith.constant 0 : i32
      %dma_start3A_593 = tpu.memref_slice %arg2[%dma_start3A_591, %dma_start3A_592] : memref<1000000x128xf32, #tpu.memory_space<hbm>> -> memref<1000000x128xf32, #tpu.memory_space<hbm>>
      %dma_start3A_594 = tpu.memref_slice %arg12[%dma_start3A_589] : memref<6x!tpu.dma_semaphore, #tpu.memory_space<semaphore_mem>> -> memref<1x!tpu.dma_semaphore, #tpu.memory_space<semaphore_mem>>
      %dma_start3A_595 = tpu.memref_squeeze %dma_start3A_594 : memref<1x!tpu.dma_semaphore, #tpu.memory_space<semaphore_mem>> -> memref<!tpu.dma_semaphore, #tpu.memory_space<semaphore_mem>>
      tpu.enqueue_indirect_dma source(%dma_start3A_593 : memref<1000000x128xf32, #tpu.memory_space<hbm>>) target(%arg11 : memref<128x128xf32, #tpu.memory_space<vmem>>) offsets(%dma_start3A_590 : memref<128xi32, #tpu.memory_space<vmem>>) semaphore(%dma_start3A_595 : memref<!tpu.dma_semaphore, #tpu.memory_space<semaphore_mem>>)
      %add3A_596 = arith.constant 2 : i32
      %add3A_597 = arith.addi %add3A_488, %add3A_596 : i32
      %mul3A_598 = arith.constant 128 : i32
      %mul3A_599 = arith.muli %add3A_597, %mul3A_598 : i32
      %dma_wait3A_600 = arith.constant 2 : i32
      %dma_wait3A_601 = tpu.memref_slice %arg5[%mul3A_599] : memref<25600xi32, #tpu.memory_space<vmem>> -> memref<128xi32, #tpu.memory_space<vmem>>
      %dma_wait3A_602 = arith.constant 0 : i32
      %dma_wait3A_603 = arith.constant 0 : i32
      %dma_wait3A_604 = tpu.memref_slice %arg2[%dma_wait3A_602, %dma_wait3A_603] : memref<1000000x128xf32, #tpu.memory_space<hbm>> -> memref<1000000x128xf32, #tpu.memory_space<hbm>>
      %dma_wait3A_605 = tpu.memref_slice %arg12[%dma_wait3A_600] : memref<6x!tpu.dma_semaphore, #tpu.memory_space<semaphore_mem>> -> memref<1x!tpu.dma_semaphore, #tpu.memory_space<semaphore_mem>>
      %dma_wait3A_606 = tpu.memref_squeeze %dma_wait3A_605 : memref<1x!tpu.dma_semaphore, #tpu.memory_space<semaphore_mem>> -> memref<!tpu.dma_semaphore, #tpu.memory_space<semaphore_mem>>
      tpu.wait_indirect_dma semaphore(%dma_wait3A_606 : memref<!tpu.dma_semaphore, #tpu.memory_space<semaphore_mem>>) src(%dma_wait3A_604 : memref<1000000x128xf32, #tpu.memory_space<hbm>>) dst(%arg8 : memref<128x128xf32, #tpu.memory_space<vmem>>)
      %mul3A_607 = arith.constant 128 : i32
      %mul3A_608 = arith.muli %add3A_597, %mul3A_607 : i32
      %add3A_609 = arith.addi %mul3A_2, %mul3A_608 : i32
      %multiple_of3A_610 = tpu.assume_multiple %add3A_609, 128 : i32
      %dma_start3A_611 = arith.constant 2 : i32
      %dma_start3A_612 = arith.constant 0 : i32
      %dma_start3A_613 = tpu.memref_slice %arg4[%multiple_of3A_610, %dma_start3A_612] : memref<819200x128xf32, #tpu.memory_space<hbm>> -> memref<128x128xf32, #tpu.memory_space<hbm>>
      %dma_start3A_614 = tpu.memref_slice %arg13[%dma_start3A_611] : memref<6x!tpu.dma_semaphore, #tpu.memory_space<semaphore_mem>> -> memref<1x!tpu.dma_semaphore, #tpu.memory_space<semaphore_mem>>
      %dma_start3A_615 = tpu.memref_squeeze %dma_start3A_614 : memref<1x!tpu.dma_semaphore, #tpu.memory_space<semaphore_mem>> -> memref<!tpu.dma_semaphore, #tpu.memory_space<semaphore_mem>>
      %dma_start3A_616 = arith.constant 0 : i32
      %dma_start3A_617 = tpu.memref_slice %arg4[%multiple_of3A_610, %dma_start3A_616] : memref<819200x128xf32, #tpu.memory_space<hbm>> -> memref<128x128xf32, #tpu.memory_space<hbm>>
      tpu.enqueue_dma source(%arg8 : memref<128x128xf32, #tpu.memory_space<vmem>>) target(%dma_start3A_617 : memref<128x128xf32, #tpu.memory_space<hbm>>) target_semaphore(%dma_start3A_615 : memref<!tpu.dma_semaphore, #tpu.memory_space<semaphore_mem>>)
      %add3A_618 = arith.constant 3 : i32
      %add3A_619 = arith.addi %add3A_488, %add3A_618 : i32
      %add3A_620 = arith.constant 3 : i32
      %add3A_621 = arith.addi %add3A_619, %add3A_620 : i32
      %multiple_of3A_622 = tpu.assume_multiple %mul3A_2, 128 : i32
      %dma_wait3A_623 = arith.constant 0 : i32
      %dma_wait3A_624 = arith.constant 0 : i32
      %dma_wait3A_625 = tpu.memref_slice %arg4[%multiple_of3A_622, %dma_wait3A_624] : memref<819200x128xf32, #tpu.memory_space<hbm>> -> memref<128x128xf32, #tpu.memory_space<hbm>>
      %dma_wait3A_626 = tpu.memref_slice %arg13[%dma_wait3A_623] : memref<6x!tpu.dma_semaphore, #tpu.memory_space<semaphore_mem>> -> memref<1x!tpu.dma_semaphore, #tpu.memory_space<semaphore_mem>>
      %dma_wait3A_627 = tpu.memref_squeeze %dma_wait3A_626 : memref<1x!tpu.dma_semaphore, #tpu.memory_space<semaphore_mem>> -> memref<!tpu.dma_semaphore, #tpu.memory_space<semaphore_mem>>
      %dma_wait3A_628 = arith.constant 0 : i32
      %dma_wait3A_629 = tpu.memref_slice %arg4[%multiple_of3A_622, %dma_wait3A_628] : memref<819200x128xf32, #tpu.memory_space<hbm>> -> memref<128x128xf32, #tpu.memory_space<hbm>>
      tpu.wait_dma2 semaphore(%dma_wait3A_627 : memref<!tpu.dma_semaphore, #tpu.memory_space<semaphore_mem>>) src(%arg6 : memref<128x128xf32, #tpu.memory_space<vmem>>) dst(%dma_wait3A_629 : memref<128x128xf32, #tpu.memory_space<hbm>>)
      %mul3A_630 = arith.constant 128 : i32
      %mul3A_631 = arith.muli %add3A_621, %mul3A_630 : i32
      %dma_start3A_632 = arith.constant 0 : i32
      %dma_start3A_633 = tpu.memref_slice %arg5[%mul3A_631] : memref<25600xi32, #tpu.memory_space<vmem>> -> memref<128xi32, #tpu.memory_space<vmem>>
      %dma_start3A_634 = arith.constant 0 : i32
      %dma_start3A_635 = arith.constant 0 : i32
      %dma_start3A_636 = tpu.memref_slice %arg2[%dma_start3A_634, %dma_start3A_635] : memref<1000000x128xf32, #tpu.memory_space<hbm>> -> memref<1000000x128xf32, #tpu.memory_space<hbm>>
      %dma_start3A_637 = tpu.memref_slice %arg12[%dma_start3A_632] : memref<6x!tpu.dma_semaphore, #tpu.memory_space<semaphore_mem>> -> memref<1x!tpu.dma_semaphore, #tpu.memory_space<semaphore_mem>>
      %dma_start3A_638 = tpu.memref_squeeze %dma_start3A_637 : memref<1x!tpu.dma_semaphore, #tpu.memory_space<semaphore_mem>> -> memref<!tpu.dma_semaphore, #tpu.memory_space<semaphore_mem>>
      tpu.enqueue_indirect_dma source(%dma_start3A_636 : memref<1000000x128xf32, #tpu.memory_space<hbm>>) target(%arg6 : memref<128x128xf32, #tpu.memory_space<vmem>>) offsets(%dma_start3A_633 : memref<128xi32, #tpu.memory_space<vmem>>) semaphore(%dma_start3A_638 : memref<!tpu.dma_semaphore, #tpu.memory_space<semaphore_mem>>)
      %add3A_639 = arith.constant 3 : i32
      %add3A_640 = arith.addi %add3A_488, %add3A_639 : i32
      %mul3A_641 = arith.constant 128 : i32
      %mul3A_642 = arith.muli %add3A_640, %mul3A_641 : i32
      %dma_wait3A_643 = arith.constant 3 : i32
      %dma_wait3A_644 = tpu.memref_slice %arg5[%mul3A_642] : memref<25600xi32, #tpu.memory_space<vmem>> -> memref<128xi32, #tpu.memory_space<vmem>>
      %dma_wait3A_645 = arith.constant 0 : i32
      %dma_wait3A_646 = arith.constant 0 : i32
      %dma_wait3A_647 = tpu.memref_slice %arg2[%dma_wait3A_645, %dma_wait3A_646] : memref<1000000x128xf32, #tpu.memory_space<hbm>> -> memref<1000000x128xf32, #tpu.memory_space<hbm>>
      %dma_wait3A_648 = tpu.memref_slice %arg12[%dma_wait3A_643] : memref<6x!tpu.dma_semaphore, #tpu.memory_space<semaphore_mem>> -> memref<1x!tpu.dma_semaphore, #tpu.memory_space<semaphore_mem>>
      %dma_wait3A_649 = tpu.memref_squeeze %dma_wait3A_648 : memref<1x!tpu.dma_semaphore, #tpu.memory_space<semaphore_mem>> -> memref<!tpu.dma_semaphore, #tpu.memory_space<semaphore_mem>>
      tpu.wait_indirect_dma semaphore(%dma_wait3A_649 : memref<!tpu.dma_semaphore, #tpu.memory_space<semaphore_mem>>) src(%dma_wait3A_647 : memref<1000000x128xf32, #tpu.memory_space<hbm>>) dst(%arg9 : memref<128x128xf32, #tpu.memory_space<vmem>>)
      %mul3A_650 = arith.constant 128 : i32
      %mul3A_651 = arith.muli %add3A_640, %mul3A_650 : i32
      %add3A_652 = arith.addi %mul3A_2, %mul3A_651 : i32
      %multiple_of3A_653 = tpu.assume_multiple %add3A_652, 128 : i32
      %dma_start3A_654 = arith.constant 3 : i32
      %dma_start3A_655 = arith.constant 0 : i32
      %dma_start3A_656 = tpu.memref_slice %arg4[%multiple_of3A_653, %dma_start3A_655] : memref<819200x128xf32, #tpu.memory_space<hbm>> -> memref<128x128xf32, #tpu.memory_space<hbm>>
      %dma_start3A_657 = tpu.memref_slice %arg13[%dma_start3A_654] : memref<6x!tpu.dma_semaphore, #tpu.memory_space<semaphore_mem>> -> memref<1x!tpu.dma_semaphore, #tpu.memory_space<semaphore_mem>>
      %dma_start3A_658 = tpu.memref_squeeze %dma_start3A_657 : memref<1x!tpu.dma_semaphore, #tpu.memory_space<semaphore_mem>> -> memref<!tpu.dma_semaphore, #tpu.memory_space<semaphore_mem>>
      %dma_start3A_659 = arith.constant 0 : i32
      %dma_start3A_660 = tpu.memref_slice %arg4[%multiple_of3A_653, %dma_start3A_659] : memref<819200x128xf32, #tpu.memory_space<hbm>> -> memref<128x128xf32, #tpu.memory_space<hbm>>
      tpu.enqueue_dma source(%arg9 : memref<128x128xf32, #tpu.memory_space<vmem>>) target(%dma_start3A_660 : memref<128x128xf32, #tpu.memory_space<hbm>>) target_semaphore(%dma_start3A_658 : memref<!tpu.dma_semaphore, #tpu.memory_space<semaphore_mem>>)
      %add3A_661 = arith.constant 4 : i32
      %add3A_662 = arith.addi %add3A_488, %add3A_661 : i32
      %add3A_663 = arith.constant 3 : i32
      %add3A_664 = arith.addi %add3A_662, %add3A_663 : i32
      %multiple_of3A_665 = tpu.assume_multiple %mul3A_2, 128 : i32
      %dma_wait3A_666 = arith.constant 1 : i32
      %dma_wait3A_667 = arith.constant 0 : i32
      %dma_wait3A_668 = tpu.memref_slice %arg4[%multiple_of3A_665, %dma_wait3A_667] : memref<819200x128xf32, #tpu.memory_space<hbm>> -> memref<128x128xf32, #tpu.memory_space<hbm>>
      %dma_wait3A_669 = tpu.memref_slice %arg13[%dma_wait3A_666] : memref<6x!tpu.dma_semaphore, #tpu.memory_space<semaphore_mem>> -> memref<1x!tpu.dma_semaphore, #tpu.memory_space<semaphore_mem>>
      %dma_wait3A_670 = tpu.memref_squeeze %dma_wait3A_669 : memref<1x!tpu.dma_semaphore, #tpu.memory_space<semaphore_mem>> -> memref<!tpu.dma_semaphore, #tpu.memory_space<semaphore_mem>>
      %dma_wait3A_671 = arith.constant 0 : i32
      %dma_wait3A_672 = tpu.memref_slice %arg4[%multiple_of3A_665, %dma_wait3A_671] : memref<819200x128xf32, #tpu.memory_space<hbm>> -> memref<128x128xf32, #tpu.memory_space<hbm>>
      tpu.wait_dma2 semaphore(%dma_wait3A_670 : memref<!tpu.dma_semaphore, #tpu.memory_space<semaphore_mem>>) src(%arg7 : memref<128x128xf32, #tpu.memory_space<vmem>>) dst(%dma_wait3A_672 : memref<128x128xf32, #tpu.memory_space<hbm>>)
      %mul3A_673 = arith.constant 128 : i32
      %mul3A_674 = arith.muli %add3A_664, %mul3A_673 : i32
      %dma_start3A_675 = arith.constant 1 : i32
      %dma_start3A_676 = tpu.memref_slice %arg5[%mul3A_674] : memref<25600xi32, #tpu.memory_space<vmem>> -> memref<128xi32, #tpu.memory_space<vmem>>
      %dma_start3A_677 = arith.constant 0 : i32
      %dma_start3A_678 = arith.constant 0 : i32
      %dma_start3A_679 = tpu.memref_slice %arg2[%dma_start3A_677, %dma_start3A_678] : memref<1000000x128xf32, #tpu.memory_space<hbm>> -> memref<1000000x128xf32, #tpu.memory_space<hbm>>
      %dma_start3A_680 = tpu.memref_slice %arg12[%dma_start3A_675] : memref<6x!tpu.dma_semaphore, #tpu.memory_space<semaphore_mem>> -> memref<1x!tpu.dma_semaphore, #tpu.memory_space<semaphore_mem>>
      %dma_start3A_681 = tpu.memref_squeeze %dma_start3A_680 : memref<1x!tpu.dma_semaphore, #tpu.memory_space<semaphore_mem>> -> memref<!tpu.dma_semaphore, #tpu.memory_space<semaphore_mem>>
      tpu.enqueue_indirect_dma source(%dma_start3A_679 : memref<1000000x128xf32, #tpu.memory_space<hbm>>) target(%arg7 : memref<128x128xf32, #tpu.memory_space<vmem>>) offsets(%dma_start3A_676 : memref<128xi32, #tpu.memory_space<vmem>>) semaphore(%dma_start3A_681 : memref<!tpu.dma_semaphore, #tpu.memory_space<semaphore_mem>>)
      %add3A_682 = arith.constant 4 : i32
      %add3A_683 = arith.addi %add3A_488, %add3A_682 : i32
      %mul3A_684 = arith.constant 128 : i32
      %mul3A_685 = arith.muli %add3A_683, %mul3A_684 : i32
      %dma_wait3A_686 = arith.constant 4 : i32
      %dma_wait3A_687 = tpu.memref_slice %arg5[%mul3A_685] : memref<25600xi32, #tpu.memory_space<vmem>> -> memref<128xi32, #tpu.memory_space<vmem>>
      %dma_wait3A_688 = arith.constant 0 : i32
      %dma_wait3A_689 = arith.constant 0 : i32
      %dma_wait3A_690 = tpu.memref_slice %arg2[%dma_wait3A_688, %dma_wait3A_689] : memref<1000000x128xf32, #tpu.memory_space<hbm>> -> memref<1000000x128xf32, #tpu.memory_space<hbm>>
      %dma_wait3A_691 = tpu.memref_slice %arg12[%dma_wait3A_686] : memref<6x!tpu.dma_semaphore, #tpu.memory_space<semaphore_mem>> -> memref<1x!tpu.dma_semaphore, #tpu.memory_space<semaphore_mem>>
      %dma_wait3A_692 = tpu.memref_squeeze %dma_wait3A_691 : memref<1x!tpu.dma_semaphore, #tpu.memory_space<semaphore_mem>> -> memref<!tpu.dma_semaphore, #tpu.memory_space<semaphore_mem>>
      tpu.wait_indirect_dma semaphore(%dma_wait3A_692 : memref<!tpu.dma_semaphore, #tpu.memory_space<semaphore_mem>>) src(%dma_wait3A_690 : memref<1000000x128xf32, #tpu.memory_space<hbm>>) dst(%arg10 : memref<128x128xf32, #tpu.memory_space<vmem>>)
      %mul3A_693 = arith.constant 128 : i32
      %mul3A_694 = arith.muli %add3A_683, %mul3A_693 : i32
      %add3A_695 = arith.addi %mul3A_2, %mul3A_694 : i32
      %multiple_of3A_696 = tpu.assume_multiple %add3A_695, 128 : i32
      %dma_start3A_697 = arith.constant 4 : i32
      %dma_start3A_698 = arith.constant 0 : i32
      %dma_start3A_699 = tpu.memref_slice %arg4[%multiple_of3A_696, %dma_start3A_698] : memref<819200x128xf32, #tpu.memory_space<hbm>> -> memref<128x128xf32, #tpu.memory_space<hbm>>
      %dma_start3A_700 = tpu.memref_slice %arg13[%dma_start3A_697] : memref<6x!tpu.dma_semaphore, #tpu.memory_space<semaphore_mem>> -> memref<1x!tpu.dma_semaphore, #tpu.memory_space<semaphore_mem>>
      %dma_start3A_701 = tpu.memref_squeeze %dma_start3A_700 : memref<1x!tpu.dma_semaphore, #tpu.memory_space<semaphore_mem>> -> memref<!tpu.dma_semaphore, #tpu.memory_space<semaphore_mem>>
      %dma_start3A_702 = arith.constant 0 : i32
      %dma_start3A_703 = tpu.memref_slice %arg4[%multiple_of3A_696, %dma_start3A_702] : memref<819200x128xf32, #tpu.memory_space<hbm>> -> memref<128x128xf32, #tpu.memory_space<hbm>>
      tpu.enqueue_dma source(%arg10 : memref<128x128xf32, #tpu.memory_space<vmem>>) target(%dma_start3A_703 : memref<128x128xf32, #tpu.memory_space<hbm>>) target_semaphore(%dma_start3A_701 : memref<!tpu.dma_semaphore, #tpu.memory_space<semaphore_mem>>)
      %add3A_704 = arith.constant 5 : i32
      %add3A_705 = arith.addi %add3A_488, %add3A_704 : i32
      %add3A_706 = arith.constant 3 : i32
      %add3A_707 = arith.addi %add3A_705, %add3A_706 : i32
      %multiple_of3A_708 = tpu.assume_multiple %mul3A_2, 128 : i32
      %dma_wait3A_709 = arith.constant 2 : i32
      %dma_wait3A_710 = arith.constant 0 : i32
      %dma_wait3A_711 = tpu.memref_slice %arg4[%multiple_of3A_708, %dma_wait3A_710] : memref<819200x128xf32, #tpu.memory_space<hbm>> -> memref<128x128xf32, #tpu.memory_space<hbm>>
      %dma_wait3A_712 = tpu.memref_slice %arg13[%dma_wait3A_709] : memref<6x!tpu.dma_semaphore, #tpu.memory_space<semaphore_mem>> -> memref<1x!tpu.dma_semaphore, #tpu.memory_space<semaphore_mem>>
      %dma_wait3A_713 = tpu.memref_squeeze %dma_wait3A_712 : memref<1x!tpu.dma_semaphore, #tpu.memory_space<semaphore_mem>> -> memref<!tpu.dma_semaphore, #tpu.memory_space<semaphore_mem>>
      %dma_wait3A_714 = arith.constant 0 : i32
      %dma_wait3A_715 = tpu.memref_slice %arg4[%multiple_of3A_708, %dma_wait3A_714] : memref<819200x128xf32, #tpu.memory_space<hbm>> -> memref<128x128xf32, #tpu.memory_space<hbm>>
      tpu.wait_dma2 semaphore(%dma_wait3A_713 : memref<!tpu.dma_semaphore, #tpu.memory_space<semaphore_mem>>) src(%arg8 : memref<128x128xf32, #tpu.memory_space<vmem>>) dst(%dma_wait3A_715 : memref<128x128xf32, #tpu.memory_space<hbm>>)
      %mul3A_716 = arith.constant 128 : i32
      %mul3A_717 = arith.muli %add3A_707, %mul3A_716 : i32
      %dma_start3A_718 = arith.constant 2 : i32
      %dma_start3A_719 = tpu.memref_slice %arg5[%mul3A_717] : memref<25600xi32, #tpu.memory_space<vmem>> -> memref<128xi32, #tpu.memory_space<vmem>>
      %dma_start3A_720 = arith.constant 0 : i32
      %dma_start3A_721 = arith.constant 0 : i32
      %dma_start3A_722 = tpu.memref_slice %arg2[%dma_start3A_720, %dma_start3A_721] : memref<1000000x128xf32, #tpu.memory_space<hbm>> -> memref<1000000x128xf32, #tpu.memory_space<hbm>>
      %dma_start3A_723 = tpu.memref_slice %arg12[%dma_start3A_718] : memref<6x!tpu.dma_semaphore, #tpu.memory_space<semaphore_mem>> -> memref<1x!tpu.dma_semaphore, #tpu.memory_space<semaphore_mem>>
      %dma_start3A_724 = tpu.memref_squeeze %dma_start3A_723 : memref<1x!tpu.dma_semaphore, #tpu.memory_space<semaphore_mem>> -> memref<!tpu.dma_semaphore, #tpu.memory_space<semaphore_mem>>
      tpu.enqueue_indirect_dma source(%dma_start3A_722 : memref<1000000x128xf32, #tpu.memory_space<hbm>>) target(%arg8 : memref<128x128xf32, #tpu.memory_space<vmem>>) offsets(%dma_start3A_719 : memref<128xi32, #tpu.memory_space<vmem>>) semaphore(%dma_start3A_724 : memref<!tpu.dma_semaphore, #tpu.memory_space<semaphore_mem>>)
      %add3A_725 = arith.constant 5 : i32
      %add3A_726 = arith.addi %add3A_488, %add3A_725 : i32
      %mul3A_727 = arith.constant 128 : i32
      %mul3A_728 = arith.muli %add3A_726, %mul3A_727 : i32
      %dma_wait3A_729 = arith.constant 5 : i32
      %dma_wait3A_730 = tpu.memref_slice %arg5[%mul3A_728] : memref<25600xi32, #tpu.memory_space<vmem>> -> memref<128xi32, #tpu.memory_space<vmem>>
      %dma_wait3A_731 = arith.constant 0 : i32
      %dma_wait3A_732 = arith.constant 0 : i32
      %dma_wait3A_733 = tpu.memref_slice %arg2[%dma_wait3A_731, %dma_wait3A_732] : memref<1000000x128xf32, #tpu.memory_space<hbm>> -> memref<1000000x128xf32, #tpu.memory_space<hbm>>
      %dma_wait3A_734 = tpu.memref_slice %arg12[%dma_wait3A_729] : memref<6x!tpu.dma_semaphore, #tpu.memory_space<semaphore_mem>> -> memref<1x!tpu.dma_semaphore, #tpu.memory_space<semaphore_mem>>
      %dma_wait3A_735 = tpu.memref_squeeze %dma_wait3A_734 : memref<1x!tpu.dma_semaphore, #tpu.memory_space<semaphore_mem>> -> memref<!tpu.dma_semaphore, #tpu.memory_space<semaphore_mem>>
      tpu.wait_indirect_dma semaphore(%dma_wait3A_735 : memref<!tpu.dma_semaphore, #tpu.memory_space<semaphore_mem>>) src(%dma_wait3A_733 : memref<1000000x128xf32, #tpu.memory_space<hbm>>) dst(%arg11 : memref<128x128xf32, #tpu.memory_space<vmem>>)
      %mul3A_736 = arith.constant 128 : i32
      %mul3A_737 = arith.muli %add3A_726, %mul3A_736 : i32
      %add3A_738 = arith.addi %mul3A_2, %mul3A_737 : i32
      %multiple_of3A_739 = tpu.assume_multiple %add3A_738, 128 : i32
      %dma_start3A_740 = arith.constant 5 : i32
      %dma_start3A_741 = arith.constant 0 : i32
      %dma_start3A_742 = tpu.memref_slice %arg4[%multiple_of3A_739, %dma_start3A_741] : memref<819200x128xf32, #tpu.memory_space<hbm>> -> memref<128x128xf32, #tpu.memory_space<hbm>>
      %dma_start3A_743 = tpu.memref_slice %arg13[%dma_start3A_740] : memref<6x!tpu.dma_semaphore, #tpu.memory_space<semaphore_mem>> -> memref<1x!tpu.dma_semaphore, #tpu.memory_space<semaphore_mem>>
      %dma_start3A_744 = tpu.memref_squeeze %dma_start3A_743 : memref<1x!tpu.dma_semaphore, #tpu.memory_space<semaphore_mem>> -> memref<!tpu.dma_semaphore, #tpu.memory_space<semaphore_mem>>
      %dma_start3A_745 = arith.constant 0 : i32
      %dma_start3A_746 = tpu.memref_slice %arg4[%multiple_of3A_739, %dma_start3A_745] : memref<819200x128xf32, #tpu.memory_space<hbm>> -> memref<128x128xf32, #tpu.memory_space<hbm>>
      tpu.enqueue_dma source(%arg11 : memref<128x128xf32, #tpu.memory_space<vmem>>) target(%dma_start3A_746 : memref<128x128xf32, #tpu.memory_space<hbm>>) target_semaphore(%dma_start3A_744 : memref<!tpu.dma_semaphore, #tpu.memory_space<semaphore_mem>>)
    }
    %scan3A_207 = arith.constant 31 : i32
    %multiple_of3A_208 = tpu.assume_multiple %mul3A_2, 128 : i32
    %dma_wait3A_209 = arith.constant 3 : i32
    %dma_wait3A_210 = arith.constant 0 : i32
    %dma_wait3A_211 = tpu.memref_slice %arg4[%multiple_of3A_208, %dma_wait3A_210] : memref<819200x128xf32, #tpu.memory_space<hbm>> -> memref<128x128xf32, #tpu.memory_space<hbm>>
    %dma_wait3A_212 = tpu.memref_slice %arg13[%dma_wait3A_209] : memref<6x!tpu.dma_semaphore, #tpu.memory_space<semaphore_mem>> -> memref<1x!tpu.dma_semaphore, #tpu.memory_space<semaphore_mem>>
    %dma_wait3A_213 = tpu.memref_squeeze %dma_wait3A_212 : memref<1x!tpu.dma_semaphore, #tpu.memory_space<semaphore_mem>> -> memref<!tpu.dma_semaphore, #tpu.memory_space<semaphore_mem>>
    %dma_wait3A_214 = arith.constant 0 : i32
    %dma_wait3A_215 = tpu.memref_slice %arg4[%multiple_of3A_208, %dma_wait3A_214] : memref<819200x128xf32, #tpu.memory_space<hbm>> -> memref<128x128xf32, #tpu.memory_space<hbm>>
    tpu.wait_dma2 semaphore(%dma_wait3A_213 : memref<!tpu.dma_semaphore, #tpu.memory_space<semaphore_mem>>) src(%arg9 : memref<128x128xf32, #tpu.memory_space<vmem>>) dst(%dma_wait3A_215 : memref<128x128xf32, #tpu.memory_space<hbm>>)
    %dma_start3A_216 = arith.constant 3 : i32
    %dma_start3A_217 = arith.constant 24960 : i32
    %dma_start3A_218 = tpu.memref_slice %arg5[%dma_start3A_217] : memref<25600xi32, #tpu.memory_space<vmem>> -> memref<128xi32, #tpu.memory_space<vmem>>
    %dma_start3A_219 = arith.constant 0 : i32
    %dma_start3A_220 = arith.constant 0 : i32
    %dma_start3A_221 = tpu.memref_slice %arg2[%dma_start3A_219, %dma_start3A_220] : memref<1000000x128xf32, #tpu.memory_space<hbm>> -> memref<1000000x128xf32, #tpu.memory_space<hbm>>
    %dma_start3A_222 = tpu.memref_slice %arg12[%dma_start3A_216] : memref<6x!tpu.dma_semaphore, #tpu.memory_space<semaphore_mem>> -> memref<1x!tpu.dma_semaphore, #tpu.memory_space<semaphore_mem>>
    %dma_start3A_223 = tpu.memref_squeeze %dma_start3A_222 : memref<1x!tpu.dma_semaphore, #tpu.memory_space<semaphore_mem>> -> memref<!tpu.dma_semaphore, #tpu.memory_space<semaphore_mem>>
    tpu.enqueue_indirect_dma source(%dma_start3A_221 : memref<1000000x128xf32, #tpu.memory_space<hbm>>) target(%arg9 : memref<128x128xf32, #tpu.memory_space<vmem>>) offsets(%dma_start3A_218 : memref<128xi32, #tpu.memory_space<vmem>>) semaphore(%dma_start3A_223 : memref<!tpu.dma_semaphore, #tpu.memory_space<semaphore_mem>>)
    %dma_wait3A_224 = arith.constant 0 : i32
    %dma_wait3A_225 = arith.constant 24576 : i32
    %dma_wait3A_226 = tpu.memref_slice %arg5[%dma_wait3A_225] : memref<25600xi32, #tpu.memory_space<vmem>> -> memref<128xi32, #tpu.memory_space<vmem>>
    %dma_wait3A_227 = arith.constant 0 : i32
    %dma_wait3A_228 = arith.constant 0 : i32
    %dma_wait3A_229 = tpu.memref_slice %arg2[%dma_wait3A_227, %dma_wait3A_228] : memref<1000000x128xf32, #tpu.memory_space<hbm>> -> memref<1000000x128xf32, #tpu.memory_space<hbm>>
    %dma_wait3A_230 = tpu.memref_slice %arg12[%dma_wait3A_224] : memref<6x!tpu.dma_semaphore, #tpu.memory_space<semaphore_mem>> -> memref<1x!tpu.dma_semaphore, #tpu.memory_space<semaphore_mem>>
    %dma_wait3A_231 = tpu.memref_squeeze %dma_wait3A_230 : memref<1x!tpu.dma_semaphore, #tpu.memory_space<semaphore_mem>> -> memref<!tpu.dma_semaphore, #tpu.memory_space<semaphore_mem>>
    tpu.wait_indirect_dma semaphore(%dma_wait3A_231 : memref<!tpu.dma_semaphore, #tpu.memory_space<semaphore_mem>>) src(%dma_wait3A_229 : memref<1000000x128xf32, #tpu.memory_space<hbm>>) dst(%arg6 : memref<128x128xf32, #tpu.memory_space<vmem>>)
    %add3A_232 = arith.constant 24576 : i32
    %add3A_233 = arith.addi %mul3A_2, %add3A_232 : i32
    %multiple_of3A_234 = tpu.assume_multiple %add3A_233, 128 : i32
    %dma_start3A_235 = arith.constant 0 : i32
    %dma_start3A_236 = arith.constant 0 : i32
    %dma_start3A_237 = tpu.memref_slice %arg4[%multiple_of3A_234, %dma_start3A_236] : memref<819200x128xf32, #tpu.memory_space<hbm>> -> memref<128x128xf32, #tpu.memory_space<hbm>>
    %dma_start3A_238 = tpu.memref_slice %arg13[%dma_start3A_235] : memref<6x!tpu.dma_semaphore, #tpu.memory_space<semaphore_mem>> -> memref<1x!tpu.dma_semaphore, #tpu.memory_space<semaphore_mem>>
    %dma_start3A_239 = tpu.memref_squeeze %dma_start3A_238 : memref<1x!tpu.dma_semaphore, #tpu.memory_space<semaphore_mem>> -> memref<!tpu.dma_semaphore, #tpu.memory_space<semaphore_mem>>
    %dma_start3A_240 = arith.constant 0 : i32
    %dma_start3A_241 = tpu.memref_slice %arg4[%multiple_of3A_234, %dma_start3A_240] : memref<819200x128xf32, #tpu.memory_space<hbm>> -> memref<128x128xf32, #tpu.memory_space<hbm>>
    tpu.enqueue_dma source(%arg6 : memref<128x128xf32, #tpu.memory_space<vmem>>) target(%dma_start3A_241 : memref<128x128xf32, #tpu.memory_space<hbm>>) target_semaphore(%dma_start3A_239 : memref<!tpu.dma_semaphore, #tpu.memory_space<semaphore_mem>>)
    %multiple_of3A_242 = tpu.assume_multiple %mul3A_2, 128 : i32
    %dma_wait3A_243 = arith.constant 4 : i32
    %dma_wait3A_244 = arith.constant 0 : i32
    %dma_wait3A_245 = tpu.memref_slice %arg4[%multiple_of3A_242, %dma_wait3A_244] : memref<819200x128xf32, #tpu.memory_space<hbm>> -> memref<128x128xf32, #tpu.memory_space<hbm>>
    %dma_wait3A_246 = tpu.memref_slice %arg13[%dma_wait3A_243] : memref<6x!tpu.dma_semaphore, #tpu.memory_space<semaphore_mem>> -> memref<1x!tpu.dma_semaphore, #tpu.memory_space<semaphore_mem>>
    %dma_wait3A_247 = tpu.memref_squeeze %dma_wait3A_246 : memref<1x!tpu.dma_semaphore, #tpu.memory_space<semaphore_mem>> -> memref<!tpu.dma_semaphore, #tpu.memory_space<semaphore_mem>>
    %dma_wait3A_248 = arith.constant 0 : i32
    %dma_wait3A_249 = tpu.memref_slice %arg4[%multiple_of3A_242, %dma_wait3A_248] : memref<819200x128xf32, #tpu.memory_space<hbm>> -> memref<128x128xf32, #tpu.memory_space<hbm>>
    tpu.wait_dma2 semaphore(%dma_wait3A_247 : memref<!tpu.dma_semaphore, #tpu.memory_space<semaphore_mem>>) src(%arg10 : memref<128x128xf32, #tpu.memory_space<vmem>>) dst(%dma_wait3A_249 : memref<128x128xf32, #tpu.memory_space<hbm>>)
    %dma_start3A_250 = arith.constant 4 : i32
    %dma_start3A_251 = arith.constant 25088 : i32
    %dma_start3A_252 = tpu.memref_slice %arg5[%dma_start3A_251] : memref<25600xi32, #tpu.memory_space<vmem>> -> memref<128xi32, #tpu.memory_space<vmem>>
    %dma_start3A_253 = arith.constant 0 : i32
    %dma_start3A_254 = arith.constant 0 : i32
    %dma_start3A_255 = tpu.memref_slice %arg2[%dma_start3A_253, %dma_start3A_254] : memref<1000000x128xf32, #tpu.memory_space<hbm>> -> memref<1000000x128xf32, #tpu.memory_space<hbm>>
    %dma_start3A_256 = tpu.memref_slice %arg12[%dma_start3A_250] : memref<6x!tpu.dma_semaphore, #tpu.memory_space<semaphore_mem>> -> memref<1x!tpu.dma_semaphore, #tpu.memory_space<semaphore_mem>>
    %dma_start3A_257 = tpu.memref_squeeze %dma_start3A_256 : memref<1x!tpu.dma_semaphore, #tpu.memory_space<semaphore_mem>> -> memref<!tpu.dma_semaphore, #tpu.memory_space<semaphore_mem>>
    tpu.enqueue_indirect_dma source(%dma_start3A_255 : memref<1000000x128xf32, #tpu.memory_space<hbm>>) target(%arg10 : memref<128x128xf32, #tpu.memory_space<vmem>>) offsets(%dma_start3A_252 : memref<128xi32, #tpu.memory_space<vmem>>) semaphore(%dma_start3A_257 : memref<!tpu.dma_semaphore, #tpu.memory_space<semaphore_mem>>)
    %dma_wait3A_258 = arith.constant 1 : i32
    %dma_wait3A_259 = arith.constant 24704 : i32
    %dma_wait3A_260 = tpu.memref_slice %arg5[%dma_wait3A_259] : memref<25600xi32, #tpu.memory_space<vmem>> -> memref<128xi32, #tpu.memory_space<vmem>>
    %dma_wait3A_261 = arith.constant 0 : i32
    %dma_wait3A_262 = arith.constant 0 : i32
    %dma_wait3A_263 = tpu.memref_slice %arg2[%dma_wait3A_261, %dma_wait3A_262] : memref<1000000x128xf32, #tpu.memory_space<hbm>> -> memref<1000000x128xf32, #tpu.memory_space<hbm>>
    %dma_wait3A_264 = tpu.memref_slice %arg12[%dma_wait3A_258] : memref<6x!tpu.dma_semaphore, #tpu.memory_space<semaphore_mem>> -> memref<1x!tpu.dma_semaphore, #tpu.memory_space<semaphore_mem>>
    %dma_wait3A_265 = tpu.memref_squeeze %dma_wait3A_264 : memref<1x!tpu.dma_semaphore, #tpu.memory_space<semaphore_mem>> -> memref<!tpu.dma_semaphore, #tpu.memory_space<semaphore_mem>>
    tpu.wait_indirect_dma semaphore(%dma_wait3A_265 : memref<!tpu.dma_semaphore, #tpu.memory_space<semaphore_mem>>) src(%dma_wait3A_263 : memref<1000000x128xf32, #tpu.memory_space<hbm>>) dst(%arg7 : memref<128x128xf32, #tpu.memory_space<vmem>>)
    %add3A_266 = arith.constant 24704 : i32
    %add3A_267 = arith.addi %mul3A_2, %add3A_266 : i32
    %multiple_of3A_268 = tpu.assume_multiple %add3A_267, 128 : i32
    %dma_start3A_269 = arith.constant 1 : i32
    %dma_start3A_270 = arith.constant 0 : i32
    %dma_start3A_271 = tpu.memref_slice %arg4[%multiple_of3A_268, %dma_start3A_270] : memref<819200x128xf32, #tpu.memory_space<hbm>> -> memref<128x128xf32, #tpu.memory_space<hbm>>
    %dma_start3A_272 = tpu.memref_slice %arg13[%dma_start3A_269] : memref<6x!tpu.dma_semaphore, #tpu.memory_space<semaphore_mem>> -> memref<1x!tpu.dma_semaphore, #tpu.memory_space<semaphore_mem>>
    %dma_start3A_273 = tpu.memref_squeeze %dma_start3A_272 : memref<1x!tpu.dma_semaphore, #tpu.memory_space<semaphore_mem>> -> memref<!tpu.dma_semaphore, #tpu.memory_space<semaphore_mem>>
    %dma_start3A_274 = arith.constant 0 : i32
    %dma_start3A_275 = tpu.memref_slice %arg4[%multiple_of3A_268, %dma_start3A_274] : memref<819200x128xf32, #tpu.memory_space<hbm>> -> memref<128x128xf32, #tpu.memory_space<hbm>>
    tpu.enqueue_dma source(%arg7 : memref<128x128xf32, #tpu.memory_space<vmem>>) target(%dma_start3A_275 : memref<128x128xf32, #tpu.memory_space<hbm>>) target_semaphore(%dma_start3A_273 : memref<!tpu.dma_semaphore, #tpu.memory_space<semaphore_mem>>)
    %multiple_of3A_276 = tpu.assume_multiple %mul3A_2, 128 : i32
    %dma_wait3A_277 = arith.constant 5 : i32
    %dma_wait3A_278 = arith.constant 0 : i32
    %dma_wait3A_279 = tpu.memref_slice %arg4[%multiple_of3A_276, %dma_wait3A_278] : memref<819200x128xf32, #tpu.memory_space<hbm>> -> memref<128x128xf32, #tpu.memory_space<hbm>>
    %dma_wait3A_280 = tpu.memref_slice %arg13[%dma_wait3A_277] : memref<6x!tpu.dma_semaphore, #tpu.memory_space<semaphore_mem>> -> memref<1x!tpu.dma_semaphore, #tpu.memory_space<semaphore_mem>>
    %dma_wait3A_281 = tpu.memref_squeeze %dma_wait3A_280 : memref<1x!tpu.dma_semaphore, #tpu.memory_space<semaphore_mem>> -> memref<!tpu.dma_semaphore, #tpu.memory_space<semaphore_mem>>
    %dma_wait3A_282 = arith.constant 0 : i32
    %dma_wait3A_283 = tpu.memref_slice %arg4[%multiple_of3A_276, %dma_wait3A_282] : memref<819200x128xf32, #tpu.memory_space<hbm>> -> memref<128x128xf32, #tpu.memory_space<hbm>>
    tpu.wait_dma2 semaphore(%dma_wait3A_281 : memref<!tpu.dma_semaphore, #tpu.memory_space<semaphore_mem>>) src(%arg11 : memref<128x128xf32, #tpu.memory_space<vmem>>) dst(%dma_wait3A_283 : memref<128x128xf32, #tpu.memory_space<hbm>>)
    %dma_start3A_284 = arith.constant 5 : i32
    %dma_start3A_285 = arith.constant 25216 : i32
    %dma_start3A_286 = tpu.memref_slice %arg5[%dma_start3A_285] : memref<25600xi32, #tpu.memory_space<vmem>> -> memref<128xi32, #tpu.memory_space<vmem>>
    %dma_start3A_287 = arith.constant 0 : i32
    %dma_start3A_288 = arith.constant 0 : i32
    %dma_start3A_289 = tpu.memref_slice %arg2[%dma_start3A_287, %dma_start3A_288] : memref<1000000x128xf32, #tpu.memory_space<hbm>> -> memref<1000000x128xf32, #tpu.memory_space<hbm>>
    %dma_start3A_290 = tpu.memref_slice %arg12[%dma_start3A_284] : memref<6x!tpu.dma_semaphore, #tpu.memory_space<semaphore_mem>> -> memref<1x!tpu.dma_semaphore, #tpu.memory_space<semaphore_mem>>
    %dma_start3A_291 = tpu.memref_squeeze %dma_start3A_290 : memref<1x!tpu.dma_semaphore, #tpu.memory_space<semaphore_mem>> -> memref<!tpu.dma_semaphore, #tpu.memory_space<semaphore_mem>>
    tpu.enqueue_indirect_dma source(%dma_start3A_289 : memref<1000000x128xf32, #tpu.memory_space<hbm>>) target(%arg11 : memref<128x128xf32, #tpu.memory_space<vmem>>) offsets(%dma_start3A_286 : memref<128xi32, #tpu.memory_space<vmem>>) semaphore(%dma_start3A_291 : memref<!tpu.dma_semaphore, #tpu.memory_space<semaphore_mem>>)
    %dma_wait3A_292 = arith.constant 2 : i32
    %dma_wait3A_293 = arith.constant 24832 : i32
    %dma_wait3A_294 = tpu.memref_slice %arg5[%dma_wait3A_293] : memref<25600xi32, #tpu.memory_space<vmem>> -> memref<128xi32, #tpu.memory_space<vmem>>
    %dma_wait3A_295 = arith.constant 0 : i32
    %dma_wait3A_296 = arith.constant 0 : i32
    %dma_wait3A_297 = tpu.memref_slice %arg2[%dma_wait3A_295, %dma_wait3A_296] : memref<1000000x128xf32, #tpu.memory_space<hbm>> -> memref<1000000x128xf32, #tpu.memory_space<hbm>>
    %dma_wait3A_298 = tpu.memref_slice %arg12[%dma_wait3A_292] : memref<6x!tpu.dma_semaphore, #tpu.memory_space<semaphore_mem>> -> memref<1x!tpu.dma_semaphore, #tpu.memory_space<semaphore_mem>>
    %dma_wait3A_299 = tpu.memref_squeeze %dma_wait3A_298 : memref<1x!tpu.dma_semaphore, #tpu.memory_space<semaphore_mem>> -> memref<!tpu.dma_semaphore, #tpu.memory_space<semaphore_mem>>
    tpu.wait_indirect_dma semaphore(%dma_wait3A_299 : memref<!tpu.dma_semaphore, #tpu.memory_space<semaphore_mem>>) src(%dma_wait3A_297 : memref<1000000x128xf32, #tpu.memory_space<hbm>>) dst(%arg8 : memref<128x128xf32, #tpu.memory_space<vmem>>)
    %add3A_300 = arith.constant 24832 : i32
    %add3A_301 = arith.addi %mul3A_2, %add3A_300 : i32
    %multiple_of3A_302 = tpu.assume_multiple %add3A_301, 128 : i32
    %dma_start3A_303 = arith.constant 2 : i32
    %dma_start3A_304 = arith.constant 0 : i32
    %dma_start3A_305 = tpu.memref_slice %arg4[%multiple_of3A_302, %dma_start3A_304] : memref<819200x128xf32, #tpu.memory_space<hbm>> -> memref<128x128xf32, #tpu.memory_space<hbm>>
    %dma_start3A_306 = tpu.memref_slice %arg13[%dma_start3A_303] : memref<6x!tpu.dma_semaphore, #tpu.memory_space<semaphore_mem>> -> memref<1x!tpu.dma_semaphore, #tpu.memory_space<semaphore_mem>>
    %dma_start3A_307 = tpu.memref_squeeze %dma_start3A_306 : memref<1x!tpu.dma_semaphore, #tpu.memory_space<semaphore_mem>> -> memref<!tpu.dma_semaphore, #tpu.memory_space<semaphore_mem>>
    %dma_start3A_308 = arith.constant 0 : i32
    %dma_start3A_309 = tpu.memref_slice %arg4[%multiple_of3A_302, %dma_start3A_308] : memref<819200x128xf32, #tpu.memory_space<hbm>> -> memref<128x128xf32, #tpu.memory_space<hbm>>
    tpu.enqueue_dma source(%arg8 : memref<128x128xf32, #tpu.memory_space<vmem>>) target(%dma_start3A_309 : memref<128x128xf32, #tpu.memory_space<hbm>>) target_semaphore(%dma_start3A_307 : memref<!tpu.dma_semaphore, #tpu.memory_space<semaphore_mem>>)
    %multiple_of3A_310 = tpu.assume_multiple %mul3A_2, 128 : i32
    %dma_wait3A_311 = arith.constant 0 : i32
    %dma_wait3A_312 = arith.constant 0 : i32
    %dma_wait3A_313 = tpu.memref_slice %arg4[%multiple_of3A_310, %dma_wait3A_312] : memref<819200x128xf32, #tpu.memory_space<hbm>> -> memref<128x128xf32, #tpu.memory_space<hbm>>
    %dma_wait3A_314 = tpu.memref_slice %arg13[%dma_wait3A_311] : memref<6x!tpu.dma_semaphore, #tpu.memory_space<semaphore_mem>> -> memref<1x!tpu.dma_semaphore, #tpu.memory_space<semaphore_mem>>
    %dma_wait3A_315 = tpu.memref_squeeze %dma_wait3A_314 : memref<1x!tpu.dma_semaphore, #tpu.memory_space<semaphore_mem>> -> memref<!tpu.dma_semaphore, #tpu.memory_space<semaphore_mem>>
    %dma_wait3A_316 = arith.constant 0 : i32
    %dma_wait3A_317 = tpu.memref_slice %arg4[%multiple_of3A_310, %dma_wait3A_316] : memref<819200x128xf32, #tpu.memory_space<hbm>> -> memref<128x128xf32, #tpu.memory_space<hbm>>
    tpu.wait_dma2 semaphore(%dma_wait3A_315 : memref<!tpu.dma_semaphore, #tpu.memory_space<semaphore_mem>>) src(%arg6 : memref<128x128xf32, #tpu.memory_space<vmem>>) dst(%dma_wait3A_317 : memref<128x128xf32, #tpu.memory_space<hbm>>)
    %dma_start3A_318 = arith.constant 0 : i32
    %dma_start3A_319 = arith.constant 25344 : i32
    %dma_start3A_320 = tpu.memref_slice %arg5[%dma_start3A_319] : memref<25600xi32, #tpu.memory_space<vmem>> -> memref<128xi32, #tpu.memory_space<vmem>>
    %dma_start3A_321 = arith.constant 0 : i32
    %dma_start3A_322 = arith.constant 0 : i32
    %dma_start3A_323 = tpu.memref_slice %arg2[%dma_start3A_321, %dma_start3A_322] : memref<1000000x128xf32, #tpu.memory_space<hbm>> -> memref<1000000x128xf32, #tpu.memory_space<hbm>>
    %dma_start3A_324 = tpu.memref_slice %arg12[%dma_start3A_318] : memref<6x!tpu.dma_semaphore, #tpu.memory_space<semaphore_mem>> -> memref<1x!tpu.dma_semaphore, #tpu.memory_space<semaphore_mem>>
    %dma_start3A_325 = tpu.memref_squeeze %dma_start3A_324 : memref<1x!tpu.dma_semaphore, #tpu.memory_space<semaphore_mem>> -> memref<!tpu.dma_semaphore, #tpu.memory_space<semaphore_mem>>
    tpu.enqueue_indirect_dma source(%dma_start3A_323 : memref<1000000x128xf32, #tpu.memory_space<hbm>>) target(%arg6 : memref<128x128xf32, #tpu.memory_space<vmem>>) offsets(%dma_start3A_320 : memref<128xi32, #tpu.memory_space<vmem>>) semaphore(%dma_start3A_325 : memref<!tpu.dma_semaphore, #tpu.memory_space<semaphore_mem>>)
    %dma_wait3A_326 = arith.constant 3 : i32
    %dma_wait3A_327 = arith.constant 24960 : i32
    %dma_wait3A_328 = tpu.memref_slice %arg5[%dma_wait3A_327] : memref<25600xi32, #tpu.memory_space<vmem>> -> memref<128xi32, #tpu.memory_space<vmem>>
    %dma_wait3A_329 = arith.constant 0 : i32
    %dma_wait3A_330 = arith.constant 0 : i32
    %dma_wait3A_331 = tpu.memref_slice %arg2[%dma_wait3A_329, %dma_wait3A_330] : memref<1000000x128xf32, #tpu.memory_space<hbm>> -> memref<1000000x128xf32, #tpu.memory_space<hbm>>
    %dma_wait3A_332 = tpu.memref_slice %arg12[%dma_wait3A_326] : memref<6x!tpu.dma_semaphore, #tpu.memory_space<semaphore_mem>> -> memref<1x!tpu.dma_semaphore, #tpu.memory_space<semaphore_mem>>
    %dma_wait3A_333 = tpu.memref_squeeze %dma_wait3A_332 : memref<1x!tpu.dma_semaphore, #tpu.memory_space<semaphore_mem>> -> memref<!tpu.dma_semaphore, #tpu.memory_space<semaphore_mem>>
    tpu.wait_indirect_dma semaphore(%dma_wait3A_333 : memref<!tpu.dma_semaphore, #tpu.memory_space<semaphore_mem>>) src(%dma_wait3A_331 : memref<1000000x128xf32, #tpu.memory_space<hbm>>) dst(%arg9 : memref<128x128xf32, #tpu.memory_space<vmem>>)
    %add3A_334 = arith.constant 24960 : i32
    %add3A_335 = arith.addi %mul3A_2, %add3A_334 : i32
    %multiple_of3A_336 = tpu.assume_multiple %add3A_335, 128 : i32
    %dma_start3A_337 = arith.constant 3 : i32
    %dma_start3A_338 = arith.constant 0 : i32
    %dma_start3A_339 = tpu.memref_slice %arg4[%multiple_of3A_336, %dma_start3A_338] : memref<819200x128xf32, #tpu.memory_space<hbm>> -> memref<128x128xf32, #tpu.memory_space<hbm>>
    %dma_start3A_340 = tpu.memref_slice %arg13[%dma_start3A_337] : memref<6x!tpu.dma_semaphore, #tpu.memory_space<semaphore_mem>> -> memref<1x!tpu.dma_semaphore, #tpu.memory_space<semaphore_mem>>
    %dma_start3A_341 = tpu.memref_squeeze %dma_start3A_340 : memref<1x!tpu.dma_semaphore, #tpu.memory_space<semaphore_mem>> -> memref<!tpu.dma_semaphore, #tpu.memory_space<semaphore_mem>>
    %dma_start3A_342 = arith.constant 0 : i32
    %dma_start3A_343 = tpu.memref_slice %arg4[%multiple_of3A_336, %dma_start3A_342] : memref<819200x128xf32, #tpu.memory_space<hbm>> -> memref<128x128xf32, #tpu.memory_space<hbm>>
    tpu.enqueue_dma source(%arg9 : memref<128x128xf32, #tpu.memory_space<vmem>>) target(%dma_start3A_343 : memref<128x128xf32, #tpu.memory_space<hbm>>) target_semaphore(%dma_start3A_341 : memref<!tpu.dma_semaphore, #tpu.memory_space<semaphore_mem>>)
    %multiple_of3A_344 = tpu.assume_multiple %mul3A_2, 128 : i32
    %dma_wait3A_345 = arith.constant 1 : i32
    %dma_wait3A_346 = arith.constant 0 : i32
    %dma_wait3A_347 = tpu.memref_slice %arg4[%multiple_of3A_344, %dma_wait3A_346] : memref<819200x128xf32, #tpu.memory_space<hbm>> -> memref<128x128xf32, #tpu.memory_space<hbm>>
    %dma_wait3A_348 = tpu.memref_slice %arg13[%dma_wait3A_345] : memref<6x!tpu.dma_semaphore, #tpu.memory_space<semaphore_mem>> -> memref<1x!tpu.dma_semaphore, #tpu.memory_space<semaphore_mem>>
    %dma_wait3A_349 = tpu.memref_squeeze %dma_wait3A_348 : memref<1x!tpu.dma_semaphore, #tpu.memory_space<semaphore_mem>> -> memref<!tpu.dma_semaphore, #tpu.memory_space<semaphore_mem>>
    %dma_wait3A_350 = arith.constant 0 : i32
    %dma_wait3A_351 = tpu.memref_slice %arg4[%multiple_of3A_344, %dma_wait3A_350] : memref<819200x128xf32, #tpu.memory_space<hbm>> -> memref<128x128xf32, #tpu.memory_space<hbm>>
    tpu.wait_dma2 semaphore(%dma_wait3A_349 : memref<!tpu.dma_semaphore, #tpu.memory_space<semaphore_mem>>) src(%arg7 : memref<128x128xf32, #tpu.memory_space<vmem>>) dst(%dma_wait3A_351 : memref<128x128xf32, #tpu.memory_space<hbm>>)
    %dma_start3A_352 = arith.constant 1 : i32
    %dma_start3A_353 = arith.constant 25472 : i32
    %dma_start3A_354 = tpu.memref_slice %arg5[%dma_start3A_353] : memref<25600xi32, #tpu.memory_space<vmem>> -> memref<128xi32, #tpu.memory_space<vmem>>
    %dma_start3A_355 = arith.constant 0 : i32
    %dma_start3A_356 = arith.constant 0 : i32
    %dma_start3A_357 = tpu.memref_slice %arg2[%dma_start3A_355, %dma_start3A_356] : memref<1000000x128xf32, #tpu.memory_space<hbm>> -> memref<1000000x128xf32, #tpu.memory_space<hbm>>
    %dma_start3A_358 = tpu.memref_slice %arg12[%dma_start3A_352] : memref<6x!tpu.dma_semaphore, #tpu.memory_space<semaphore_mem>> -> memref<1x!tpu.dma_semaphore, #tpu.memory_space<semaphore_mem>>
    %dma_start3A_359 = tpu.memref_squeeze %dma_start3A_358 : memref<1x!tpu.dma_semaphore, #tpu.memory_space<semaphore_mem>> -> memref<!tpu.dma_semaphore, #tpu.memory_space<semaphore_mem>>
    tpu.enqueue_indirect_dma source(%dma_start3A_357 : memref<1000000x128xf32, #tpu.memory_space<hbm>>) target(%arg7 : memref<128x128xf32, #tpu.memory_space<vmem>>) offsets(%dma_start3A_354 : memref<128xi32, #tpu.memory_space<vmem>>) semaphore(%dma_start3A_359 : memref<!tpu.dma_semaphore, #tpu.memory_space<semaphore_mem>>)
    %dma_wait3A_360 = arith.constant 4 : i32
    %dma_wait3A_361 = arith.constant 25088 : i32
    %dma_wait3A_362 = tpu.memref_slice %arg5[%dma_wait3A_361] : memref<25600xi32, #tpu.memory_space<vmem>> -> memref<128xi32, #tpu.memory_space<vmem>>
    %dma_wait3A_363 = arith.constant 0 : i32
    %dma_wait3A_364 = arith.constant 0 : i32
    %dma_wait3A_365 = tpu.memref_slice %arg2[%dma_wait3A_363, %dma_wait3A_364] : memref<1000000x128xf32, #tpu.memory_space<hbm>> -> memref<1000000x128xf32, #tpu.memory_space<hbm>>
    %dma_wait3A_366 = tpu.memref_slice %arg12[%dma_wait3A_360] : memref<6x!tpu.dma_semaphore, #tpu.memory_space<semaphore_mem>> -> memref<1x!tpu.dma_semaphore, #tpu.memory_space<semaphore_mem>>
    %dma_wait3A_367 = tpu.memref_squeeze %dma_wait3A_366 : memref<1x!tpu.dma_semaphore, #tpu.memory_space<semaphore_mem>> -> memref<!tpu.dma_semaphore, #tpu.memory_space<semaphore_mem>>
    tpu.wait_indirect_dma semaphore(%dma_wait3A_367 : memref<!tpu.dma_semaphore, #tpu.memory_space<semaphore_mem>>) src(%dma_wait3A_365 : memref<1000000x128xf32, #tpu.memory_space<hbm>>) dst(%arg10 : memref<128x128xf32, #tpu.memory_space<vmem>>)
    %add3A_368 = arith.constant 25088 : i32
    %add3A_369 = arith.addi %mul3A_2, %add3A_368 : i32
    %multiple_of3A_370 = tpu.assume_multiple %add3A_369, 128 : i32
    %dma_start3A_371 = arith.constant 4 : i32
    %dma_start3A_372 = arith.constant 0 : i32
    %dma_start3A_373 = tpu.memref_slice %arg4[%multiple_of3A_370, %dma_start3A_372] : memref<819200x128xf32, #tpu.memory_space<hbm>> -> memref<128x128xf32, #tpu.memory_space<hbm>>
    %dma_start3A_374 = tpu.memref_slice %arg13[%dma_start3A_371] : memref<6x!tpu.dma_semaphore, #tpu.memory_space<semaphore_mem>> -> memref<1x!tpu.dma_semaphore, #tpu.memory_space<semaphore_mem>>
    %dma_start3A_375 = tpu.memref_squeeze %dma_start3A_374 : memref<1x!tpu.dma_semaphore, #tpu.memory_space<semaphore_mem>> -> memref<!tpu.dma_semaphore, #tpu.memory_space<semaphore_mem>>
    %dma_start3A_376 = arith.constant 0 : i32
    %dma_start3A_377 = tpu.memref_slice %arg4[%multiple_of3A_370, %dma_start3A_376] : memref<819200x128xf32, #tpu.memory_space<hbm>> -> memref<128x128xf32, #tpu.memory_space<hbm>>
    tpu.enqueue_dma source(%arg10 : memref<128x128xf32, #tpu.memory_space<vmem>>) target(%dma_start3A_377 : memref<128x128xf32, #tpu.memory_space<hbm>>) target_semaphore(%dma_start3A_375 : memref<!tpu.dma_semaphore, #tpu.memory_space<semaphore_mem>>)
    %dma_wait3A_378 = arith.constant 5 : i32
    %dma_wait3A_379 = arith.constant 25216 : i32
    %dma_wait3A_380 = tpu.memref_slice %arg5[%dma_wait3A_379] : memref<25600xi32, #tpu.memory_space<vmem>> -> memref<128xi32, #tpu.memory_space<vmem>>
    %dma_wait3A_381 = arith.constant 0 : i32
    %dma_wait3A_382 = arith.constant 0 : i32
    %dma_wait3A_383 = tpu.memref_slice %arg2[%dma_wait3A_381, %dma_wait3A_382] : memref<1000000x128xf32, #tpu.memory_space<hbm>> -> memref<1000000x128xf32, #tpu.memory_space<hbm>>
    %dma_wait3A_384 = tpu.memref_slice %arg12[%dma_wait3A_378] : memref<6x!tpu.dma_semaphore, #tpu.memory_space<semaphore_mem>> -> memref<1x!tpu.dma_semaphore, #tpu.memory_space<semaphore_mem>>
    %dma_wait3A_385 = tpu.memref_squeeze %dma_wait3A_384 : memref<1x!tpu.dma_semaphore, #tpu.memory_space<semaphore_mem>> -> memref<!tpu.dma_semaphore, #tpu.memory_space<semaphore_mem>>
    tpu.wait_indirect_dma semaphore(%dma_wait3A_385 : memref<!tpu.dma_semaphore, #tpu.memory_space<semaphore_mem>>) src(%dma_wait3A_383 : memref<1000000x128xf32, #tpu.memory_space<hbm>>) dst(%arg11 : memref<128x128xf32, #tpu.memory_space<vmem>>)
    %add3A_386 = arith.constant 25216 : i32
    %add3A_387 = arith.addi %mul3A_2, %add3A_386 : i32
    %multiple_of3A_388 = tpu.assume_multiple %add3A_387, 128 : i32
    %dma_start3A_389 = arith.constant 5 : i32
    %dma_start3A_390 = arith.constant 0 : i32
    %dma_start3A_391 = tpu.memref_slice %arg4[%multiple_of3A_388, %dma_start3A_390] : memref<819200x128xf32, #tpu.memory_space<hbm>> -> memref<128x128xf32, #tpu.memory_space<hbm>>
    %dma_start3A_392 = tpu.memref_slice %arg13[%dma_start3A_389] : memref<6x!tpu.dma_semaphore, #tpu.memory_space<semaphore_mem>> -> memref<1x!tpu.dma_semaphore, #tpu.memory_space<semaphore_mem>>
    %dma_start3A_393 = tpu.memref_squeeze %dma_start3A_392 : memref<1x!tpu.dma_semaphore, #tpu.memory_space<semaphore_mem>> -> memref<!tpu.dma_semaphore, #tpu.memory_space<semaphore_mem>>
    %dma_start3A_394 = arith.constant 0 : i32
    %dma_start3A_395 = tpu.memref_slice %arg4[%multiple_of3A_388, %dma_start3A_394] : memref<819200x128xf32, #tpu.memory_space<hbm>> -> memref<128x128xf32, #tpu.memory_space<hbm>>
    tpu.enqueue_dma source(%arg11 : memref<128x128xf32, #tpu.memory_space<vmem>>) target(%dma_start3A_395 : memref<128x128xf32, #tpu.memory_space<hbm>>) target_semaphore(%dma_start3A_393 : memref<!tpu.dma_semaphore, #tpu.memory_space<semaphore_mem>>)
    %dma_wait3A_396 = arith.constant 0 : i32
    %dma_wait3A_397 = arith.constant 25344 : i32
    %dma_wait3A_398 = tpu.memref_slice %arg5[%dma_wait3A_397] : memref<25600xi32, #tpu.memory_space<vmem>> -> memref<128xi32, #tpu.memory_space<vmem>>
    %dma_wait3A_399 = arith.constant 0 : i32
    %dma_wait3A_400 = arith.constant 0 : i32
    %dma_wait3A_401 = tpu.memref_slice %arg2[%dma_wait3A_399, %dma_wait3A_400] : memref<1000000x128xf32, #tpu.memory_space<hbm>> -> memref<1000000x128xf32, #tpu.memory_space<hbm>>
    %dma_wait3A_402 = tpu.memref_slice %arg12[%dma_wait3A_396] : memref<6x!tpu.dma_semaphore, #tpu.memory_space<semaphore_mem>> -> memref<1x!tpu.dma_semaphore, #tpu.memory_space<semaphore_mem>>
    %dma_wait3A_403 = tpu.memref_squeeze %dma_wait3A_402 : memref<1x!tpu.dma_semaphore, #tpu.memory_space<semaphore_mem>> -> memref<!tpu.dma_semaphore, #tpu.memory_space<semaphore_mem>>
    tpu.wait_indirect_dma semaphore(%dma_wait3A_403 : memref<!tpu.dma_semaphore, #tpu.memory_space<semaphore_mem>>) src(%dma_wait3A_401 : memref<1000000x128xf32, #tpu.memory_space<hbm>>) dst(%arg6 : memref<128x128xf32, #tpu.memory_space<vmem>>)
    %add3A_404 = arith.constant 25344 : i32
    %add3A_405 = arith.addi %mul3A_2, %add3A_404 : i32
    %multiple_of3A_406 = tpu.assume_multiple %add3A_405, 128 : i32
    %dma_start3A_407 = arith.constant 0 : i32
    %dma_start3A_408 = arith.constant 0 : i32
    %dma_start3A_409 = tpu.memref_slice %arg4[%multiple_of3A_406, %dma_start3A_408] : memref<819200x128xf32, #tpu.memory_space<hbm>> -> memref<128x128xf32, #tpu.memory_space<hbm>>
    %dma_start3A_410 = tpu.memref_slice %arg13[%dma_start3A_407] : memref<6x!tpu.dma_semaphore, #tpu.memory_space<semaphore_mem>> -> memref<1x!tpu.dma_semaphore, #tpu.memory_space<semaphore_mem>>
    %dma_start3A_411 = tpu.memref_squeeze %dma_start3A_410 : memref<1x!tpu.dma_semaphore, #tpu.memory_space<semaphore_mem>> -> memref<!tpu.dma_semaphore, #tpu.memory_space<semaphore_mem>>
    %dma_start3A_412 = arith.constant 0 : i32
    %dma_start3A_413 = tpu.memref_slice %arg4[%multiple_of3A_406, %dma_start3A_412] : memref<819200x128xf32, #tpu.memory_space<hbm>> -> memref<128x128xf32, #tpu.memory_space<hbm>>
    tpu.enqueue_dma source(%arg6 : memref<128x128xf32, #tpu.memory_space<vmem>>) target(%dma_start3A_413 : memref<128x128xf32, #tpu.memory_space<hbm>>) target_semaphore(%dma_start3A_411 : memref<!tpu.dma_semaphore, #tpu.memory_space<semaphore_mem>>)
    %dma_wait3A_414 = arith.constant 1 : i32
    %dma_wait3A_415 = arith.constant 25472 : i32
    %dma_wait3A_416 = tpu.memref_slice %arg5[%dma_wait3A_415] : memref<25600xi32, #tpu.memory_space<vmem>> -> memref<128xi32, #tpu.memory_space<vmem>>
    %dma_wait3A_417 = arith.constant 0 : i32
    %dma_wait3A_418 = arith.constant 0 : i32
    %dma_wait3A_419 = tpu.memref_slice %arg2[%dma_wait3A_417, %dma_wait3A_418] : memref<1000000x128xf32, #tpu.memory_space<hbm>> -> memref<1000000x128xf32, #tpu.memory_space<hbm>>
    %dma_wait3A_420 = tpu.memref_slice %arg12[%dma_wait3A_414] : memref<6x!tpu.dma_semaphore, #tpu.memory_space<semaphore_mem>> -> memref<1x!tpu.dma_semaphore, #tpu.memory_space<semaphore_mem>>
    %dma_wait3A_421 = tpu.memref_squeeze %dma_wait3A_420 : memref<1x!tpu.dma_semaphore, #tpu.memory_space<semaphore_mem>> -> memref<!tpu.dma_semaphore, #tpu.memory_space<semaphore_mem>>
    tpu.wait_indirect_dma semaphore(%dma_wait3A_421 : memref<!tpu.dma_semaphore, #tpu.memory_space<semaphore_mem>>) src(%dma_wait3A_419 : memref<1000000x128xf32, #tpu.memory_space<hbm>>) dst(%arg7 : memref<128x128xf32, #tpu.memory_space<vmem>>)
    %add3A_422 = arith.constant 25472 : i32
    %add3A_423 = arith.addi %mul3A_2, %add3A_422 : i32
    %multiple_of3A_424 = tpu.assume_multiple %add3A_423, 128 : i32
    %dma_start3A_425 = arith.constant 1 : i32
    %dma_start3A_426 = arith.constant 0 : i32
    %dma_start3A_427 = tpu.memref_slice %arg4[%multiple_of3A_424, %dma_start3A_426] : memref<819200x128xf32, #tpu.memory_space<hbm>> -> memref<128x128xf32, #tpu.memory_space<hbm>>
    %dma_start3A_428 = tpu.memref_slice %arg13[%dma_start3A_425] : memref<6x!tpu.dma_semaphore, #tpu.memory_space<semaphore_mem>> -> memref<1x!tpu.dma_semaphore, #tpu.memory_space<semaphore_mem>>
    %dma_start3A_429 = tpu.memref_squeeze %dma_start3A_428 : memref<1x!tpu.dma_semaphore, #tpu.memory_space<semaphore_mem>> -> memref<!tpu.dma_semaphore, #tpu.memory_space<semaphore_mem>>
    %dma_start3A_430 = arith.constant 0 : i32
    %dma_start3A_431 = tpu.memref_slice %arg4[%multiple_of3A_424, %dma_start3A_430] : memref<819200x128xf32, #tpu.memory_space<hbm>> -> memref<128x128xf32, #tpu.memory_space<hbm>>
    tpu.enqueue_dma source(%arg7 : memref<128x128xf32, #tpu.memory_space<vmem>>) target(%dma_start3A_431 : memref<128x128xf32, #tpu.memory_space<hbm>>) target_semaphore(%dma_start3A_429 : memref<!tpu.dma_semaphore, #tpu.memory_space<semaphore_mem>>)
    %multiple_of3A_432 = tpu.assume_multiple %mul3A_2, 128 : i32
    %dma_wait3A_433 = arith.constant 0 : i32
    %dma_wait3A_434 = arith.constant 0 : i32
    %dma_wait3A_435 = tpu.memref_slice %arg4[%multiple_of3A_432, %dma_wait3A_434] : memref<819200x128xf32, #tpu.memory_space<hbm>> -> memref<128x128xf32, #tpu.memory_space<hbm>>
    %dma_wait3A_436 = tpu.memref_slice %arg13[%dma_wait3A_433] : memref<6x!tpu.dma_semaphore, #tpu.memory_space<semaphore_mem>> -> memref<1x!tpu.dma_semaphore, #tpu.memory_space<semaphore_mem>>
    %dma_wait3A_437 = tpu.memref_squeeze %dma_wait3A_436 : memref<1x!tpu.dma_semaphore, #tpu.memory_space<semaphore_mem>> -> memref<!tpu.dma_semaphore, #tpu.memory_space<semaphore_mem>>
    %dma_wait3A_438 = arith.constant 0 : i32
    %dma_wait3A_439 = tpu.memref_slice %arg4[%multiple_of3A_432, %dma_wait3A_438] : memref<819200x128xf32, #tpu.memory_space<hbm>> -> memref<128x128xf32, #tpu.memory_space<hbm>>
    tpu.wait_dma2 semaphore(%dma_wait3A_437 : memref<!tpu.dma_semaphore, #tpu.memory_space<semaphore_mem>>) src(%arg6 : memref<128x128xf32, #tpu.memory_space<vmem>>) dst(%dma_wait3A_439 : memref<128x128xf32, #tpu.memory_space<hbm>>)
    %multiple_of3A_440 = tpu.assume_multiple %mul3A_2, 128 : i32
    %dma_wait3A_441 = arith.constant 1 : i32
    %dma_wait3A_442 = arith.constant 0 : i32
    %dma_wait3A_443 = tpu.memref_slice %arg4[%multiple_of3A_440, %dma_wait3A_442] : memref<819200x128xf32, #tpu.memory_space<hbm>> -> memref<128x128xf32, #tpu.memory_space<hbm>>
    %dma_wait3A_444 = tpu.memref_slice %arg13[%dma_wait3A_441] : memref<6x!tpu.dma_semaphore, #tpu.memory_space<semaphore_mem>> -> memref<1x!tpu.dma_semaphore, #tpu.memory_space<semaphore_mem>>
    %dma_wait3A_445 = tpu.memref_squeeze %dma_wait3A_444 : memref<1x!tpu.dma_semaphore, #tpu.memory_space<semaphore_mem>> -> memref<!tpu.dma_semaphore, #tpu.memory_space<semaphore_mem>>
    %dma_wait3A_446 = arith.constant 0 : i32
    %dma_wait3A_447 = tpu.memref_slice %arg4[%multiple_of3A_440, %dma_wait3A_446] : memref<819200x128xf32, #tpu.memory_space<hbm>> -> memref<128x128xf32, #tpu.memory_space<hbm>>
    tpu.wait_dma2 semaphore(%dma_wait3A_445 : memref<!tpu.dma_semaphore, #tpu.memory_space<semaphore_mem>>) src(%arg7 : memref<128x128xf32, #tpu.memory_space<vmem>>) dst(%dma_wait3A_447 : memref<128x128xf32, #tpu.memory_space<hbm>>)
    %multiple_of3A_448 = tpu.assume_multiple %mul3A_2, 128 : i32
    %dma_wait3A_449 = arith.constant 2 : i32
    %dma_wait3A_450 = arith.constant 0 : i32
    %dma_wait3A_451 = tpu.memref_slice %arg4[%multiple_of3A_448, %dma_wait3A_450] : memref<819200x128xf32, #tpu.memory_space<hbm>> -> memref<128x128xf32, #tpu.memory_space<hbm>>
    %dma_wait3A_452 = tpu.memref_slice %arg13[%dma_wait3A_449] : memref<6x!tpu.dma_semaphore, #tpu.memory_space<semaphore_mem>> -> memref<1x!tpu.dma_semaphore, #tpu.memory_space<semaphore_mem>>
    %dma_wait3A_453 = tpu.memref_squeeze %dma_wait3A_452 : memref<1x!tpu.dma_semaphore, #tpu.memory_space<semaphore_mem>> -> memref<!tpu.dma_semaphore, #tpu.memory_space<semaphore_mem>>
    %dma_wait3A_454 = arith.constant 0 : i32
    %dma_wait3A_455 = tpu.memref_slice %arg4[%multiple_of3A_448, %dma_wait3A_454] : memref<819200x128xf32, #tpu.memory_space<hbm>> -> memref<128x128xf32, #tpu.memory_space<hbm>>
    tpu.wait_dma2 semaphore(%dma_wait3A_453 : memref<!tpu.dma_semaphore, #tpu.memory_space<semaphore_mem>>) src(%arg8 : memref<128x128xf32, #tpu.memory_space<vmem>>) dst(%dma_wait3A_455 : memref<128x128xf32, #tpu.memory_space<hbm>>)
    %multiple_of3A_456 = tpu.assume_multiple %mul3A_2, 128 : i32
    %dma_wait3A_457 = arith.constant 3 : i32
    %dma_wait3A_458 = arith.constant 0 : i32
    %dma_wait3A_459 = tpu.memref_slice %arg4[%multiple_of3A_456, %dma_wait3A_458] : memref<819200x128xf32, #tpu.memory_space<hbm>> -> memref<128x128xf32, #tpu.memory_space<hbm>>
    %dma_wait3A_460 = tpu.memref_slice %arg13[%dma_wait3A_457] : memref<6x!tpu.dma_semaphore, #tpu.memory_space<semaphore_mem>> -> memref<1x!tpu.dma_semaphore, #tpu.memory_space<semaphore_mem>>
    %dma_wait3A_461 = tpu.memref_squeeze %dma_wait3A_460 : memref<1x!tpu.dma_semaphore, #tpu.memory_space<semaphore_mem>> -> memref<!tpu.dma_semaphore, #tpu.memory_space<semaphore_mem>>
    %dma_wait3A_462 = arith.constant 0 : i32
    %dma_wait3A_463 = tpu.memref_slice %arg4[%multiple_of3A_456, %dma_wait3A_462] : memref<819200x128xf32, #tpu.memory_space<hbm>> -> memref<128x128xf32, #tpu.memory_space<hbm>>
    tpu.wait_dma2 semaphore(%dma_wait3A_461 : memref<!tpu.dma_semaphore, #tpu.memory_space<semaphore_mem>>) src(%arg9 : memref<128x128xf32, #tpu.memory_space<vmem>>) dst(%dma_wait3A_463 : memref<128x128xf32, #tpu.memory_space<hbm>>)
    %multiple_of3A_464 = tpu.assume_multiple %mul3A_2, 128 : i32
    %dma_wait3A_465 = arith.constant 4 : i32
    %dma_wait3A_466 = arith.constant 0 : i32
    %dma_wait3A_467 = tpu.memref_slice %arg4[%multiple_of3A_464, %dma_wait3A_466] : memref<819200x128xf32, #tpu.memory_space<hbm>> -> memref<128x128xf32, #tpu.memory_space<hbm>>
    %dma_wait3A_468 = tpu.memref_slice %arg13[%dma_wait3A_465] : memref<6x!tpu.dma_semaphore, #tpu.memory_space<semaphore_mem>> -> memref<1x!tpu.dma_semaphore, #tpu.memory_space<semaphore_mem>>
    %dma_wait3A_469 = tpu.memref_squeeze %dma_wait3A_468 : memref<1x!tpu.dma_semaphore, #tpu.memory_space<semaphore_mem>> -> memref<!tpu.dma_semaphore, #tpu.memory_space<semaphore_mem>>
    %dma_wait3A_470 = arith.constant 0 : i32
    %dma_wait3A_471 = tpu.memref_slice %arg4[%multiple_of3A_464, %dma_wait3A_470] : memref<819200x128xf32, #tpu.memory_space<hbm>> -> memref<128x128xf32, #tpu.memory_space<hbm>>
    tpu.wait_dma2 semaphore(%dma_wait3A_469 : memref<!tpu.dma_semaphore, #tpu.memory_space<semaphore_mem>>) src(%arg10 : memref<128x128xf32, #tpu.memory_space<vmem>>) dst(%dma_wait3A_471 : memref<128x128xf32, #tpu.memory_space<hbm>>)
    %multiple_of3A_472 = tpu.assume_multiple %mul3A_2, 128 : i32
    %dma_wait3A_473 = arith.constant 5 : i32
    %dma_wait3A_474 = arith.constant 0 : i32
    %dma_wait3A_475 = tpu.memref_slice %arg4[%multiple_of3A_472, %dma_wait3A_474] : memref<819200x128xf32, #tpu.memory_space<hbm>> -> memref<128x128xf32, #tpu.memory_space<hbm>>
    %dma_wait3A_476 = tpu.memref_slice %arg13[%dma_wait3A_473] : memref<6x!tpu.dma_semaphore, #tpu.memory_space<semaphore_mem>> -> memref<1x!tpu.dma_semaphore, #tpu.memory_space<semaphore_mem>>
    %dma_wait3A_477 = tpu.memref_squeeze %dma_wait3A_476 : memref<1x!tpu.dma_semaphore, #tpu.memory_space<semaphore_mem>> -> memref<!tpu.dma_semaphore, #tpu.memory_space<semaphore_mem>>
    %dma_wait3A_478 = arith.constant 0 : i32
    %dma_wait3A_479 = tpu.memref_slice %arg4[%multiple_of3A_472, %dma_wait3A_478] : memref<819200x128xf32, #tpu.memory_space<hbm>> -> memref<128x128xf32, #tpu.memory_space<hbm>>
    tpu.wait_dma2 semaphore(%dma_wait3A_477 : memref<!tpu.dma_semaphore, #tpu.memory_space<semaphore_mem>>) src(%arg11 : memref<128x128xf32, #tpu.memory_space<vmem>>) dst(%dma_wait3A_479 : memref<128x128xf32, #tpu.memory_space<hbm>>)
    return
  }
}

</mosaic_0001>

<sc_bundles>
// kernel: kernel.3.cloned.1.call-start
scs
__scs_entry_jumppad:
0x0: {  	(pc) =	sbr.rel $0x88, $3  }
0x1: {  	(tag) =	ssettag $0x0;
	lr =	simm.s32 $0x1  }
0x2: {  	[smem:$0x3F9F] =	sst lr;
	_ =	strace $0xD0000000  }
0x3: {  	_ = 	snop  }
0x4: {  	_ = 	snop  }
0x5: {  	_ = 	snop  }
0x6: {  	_ = 	snop  }
0x7: {  	_ = 	snop  }
__scs_overlays_trampoline_lowered:
0x8: {  	[smem:$0x3FAE] =	sst s0  }
0x9: {  	[smem:$0x3FAF] =	sst s1  }
0xa: {  	[smem:$0x3FB0] =	sst s2  }
0xb: {  	[smem:$0x3FB1] =	sst s3  }
0xc: {  	[smem:$0x3FB2] =	sst s4  }
0xd: {  	[smem:$0x3FB3] =	sst s5  }
0xe: {  	[smem:$0x3FB4] =	sst s6  }
0xf: {  	[smem:$0x3FB5] =	sst s7  }
0x10: {  	[smem:$0x3FB6] =	sst s8  }
0x11: {  	[smem:$0x3FB7] =	sst s9;
	s0 =	simm.s32 @!p0 $0x0  }
0x12: {  	s1 =	sld [smem:$0x3F9D];
	s0 =	simm.s32 @p0 $0x1  }
0x13: {  	[smem:$0x3FB8] =	sst s0;
	s0 =	simm.s32 @!p1 $0x0  }
0x14: {  	s2 =	sld [smem:$0x3F9C];
	s0 =	simm.s32 @p1 $0x1  }
0x15: {  	[smem:$0x3FB9] =	sst s0;
	s0 =	simm.s32 @!p2 $0x0  }
0x16: {  	s3 =	sld [smem:$0x3FDB];
	s0 =	simm.s32 @p2 $0x1  }
0x17: {  	s4 =	simm.s32 $0x1BF5;
	[smem:$0x3FBB] =	sst s0  }
0x18: {  	s0 =	sld [smem:$0x3F9E];
	_ =	swait.ge [sflag:s4], $0x0  }
0x19: {  	s7 =	sld [smem:$0x3F9F]  }
0x1a: {  	s8 =	sadd.s32 $0xFFFFE003, lr  }
0x1b: {  	s9 =	sadd.s32 $0xFFFFFEF7, lr;
	s5 =	simm.s32 $0xFFFFFFFF;
	p2 =	slt.u32 s8, $0xFFFFF086  }
0x1c: {  	p1 =	slt.u32 s9, $0xF7A;
	s5 =	simm.s32 @!p2 $0x0  }
0x1d: {  	s5 =	simm.s32 @p1 $0x1;
	p0 =	seq.s32 s7, s2  }
0x1e: {  	s7 =	smul.u32 @!p0 $0xF7A, s2;
	p2 =	seq.s32 @!p0 s5, $0x0  }
0x1f: {  	s9 =	smul.u32 $0xF7A, s1;
	s8 =	simm.s32 @!p0 $0x1BF5;
	p2 =	por !p2, p0  }
0x20: {  	[sflag:s8] =	ssyncset.s32 @!p0 $0xFFFFF086;
	s6 =	sadd.s32 @!p0 s3, s7;
	s7 =	simm.s32 @!p0 $0x108  }
0x21: {  	s3 =	sadd.s32 s3, s9;
	s6 =	sadd.s32 @!p0 $0x88, s6;
	s7 =	simm.s32 @p2 $0x1082  }
0x22: {  	[simem:s7], [sflag:s8] =	dma.local @!p0 [hbm:s6], $0xF7A  }
0x23: {  	s9 =	sor.u32 $0xD0000000, s2;
	s6 =	simm.s32 $0x108;
	_ =	swait.ge @!p0 [sflag:s8], $0x0  }
0x24: {  	s3 =	sadd.s32 $0x88, s3;
	s6 =	simm.s32 @!p1 $0x1082;
	[sflag:s4] =	ssyncset.s32 $0xFFFFF086  }
0x25: {  	[simem:s6], [sflag:s4] =	dma.local [hbm:s3], $0xF7A  }
0x26: {  	[smem:$0x3F9F] =	sst s1;
	(tag) =	ssettag s2;
	_ =	strace s9  }
0x27: {  	s1 =	sld [smem:$0x3FAF]  }
0x28: {  	s2 =	sld [smem:$0x3FB0]  }
0x29: {  	s4 =	sld [smem:$0x3FB2]  }
0x2a: {  	p0 =	seq.s32 s5, $0x0;
	s5 =	sld [smem:$0x3FB3]  }
0x2b: {  	s6 =	sld [smem:$0x3FB4]  }
0x2c: {  	s7 =	sld [smem:$0x3FB5]  }
0x2d: {  	s3 =	simm.s32 $0x108;
	s8 =	sld [smem:$0x3FB6]  }
0x2e: {  	s3 =	simm.s32 @!p0 $0x1082;
	s9 =	sld [smem:$0x3FB7]  }
0x2f: {  	lr =	sadd.s32 s0, s3;
	s0 =	sld [smem:$0x3FAE]  }
0x30: {  	s3 =	sld [smem:$0x3FB1]  }
0x31: {  	[smem:$0x3FBA] =	sst s10  }
0x32: {  	s10 =	sld [smem:$0x3FB8];
	_ =	sdelay $0x3  }
0x33: {  	p0 =	seq.s32 s10, $0x1;
	s10 =	sld [smem:$0x3FBA];
	_ =	sdelay $0x3  }
0x34: {  	[smem:$0x3FBA] =	sst s10  }
0x35: {  	s10 =	sld [smem:$0x3FB9];
	_ =	sdelay $0x3  }
0x36: {  	p1 =	seq.s32 s10, $0x1;
	s10 =	sld [smem:$0x3FBA];
	_ =	sdelay $0x3  }
0x37: {  	[smem:$0x3FBA] =	sst s10  }
0x38: {  	s10 =	sld [smem:$0x3FBB]  }
0x39: {  	_ = 	snop;
	(pc) =	sbr.ind lr, $3  }
0x3a: {  	_ = 	snop  }
0x3b: {  	_ = 	snop  }
0x3c: {  	p2 =	seq.s32 s10, $0x1;
	s10 =	sld [smem:$0x3FBA]  }
0x3d: {  	_ =	shalt  }
0x3e: {  	_ =	shalt  }
0x3f: {  	_ =	shalt  }
0x40: {  	_ =	shalt  }
0x41: {  	_ =	shalt  }
0x42: {  	_ =	shalt  }
0x43: {  	_ =	shalt  }
0x44: {  	_ =	shalt  }
0x45: {  	_ =	shalt  }
0x46: {  	_ =	shalt  }
0x47: {  	_ =	shalt  }
0x48: {  	_ =	shalt  }
0x49: {  	_ =	shalt  }
0x4a: {  	_ =	shalt  }
0x4b: {  	_ =	shalt  }
0x4c: {  	_ =	shalt  }
0x4d: {  	_ =	shalt  }
0x4e: {  	_ =	shalt  }
0x4f: {  	_ =	shalt  }
0x50: {  	_ =	shalt  }
0x51: {  	_ =	shalt  }
0x52: {  	_ =	shalt  }
0x53: {  	_ =	shalt  }
0x54: {  	_ =	shalt  }
0x55: {  	_ =	shalt  }
0x56: {  	_ =	shalt  }
0x57: {  	_ =	shalt  }
0x58: {  	_ =	shalt  }
0x59: {  	_ =	shalt  }
0x5a: {  	_ =	shalt  }
0x5b: {  	_ =	shalt  }
0x5c: {  	_ =	shalt  }
0x5d: {  	_ =	shalt  }
0x5e: {  	_ =	shalt  }
0x5f: {  	_ =	shalt  }
0x60: {  	_ =	shalt  }
0x61: {  	_ =	shalt  }
0x62: {  	_ =	shalt  }
0x63: {  	_ =	shalt  }
0x64: {  	_ =	shalt  }
0x65: {  	_ =	shalt  }
0x66: {  	_ =	shalt  }
0x67: {  	_ =	shalt  }
0x68: {  	_ =	shalt  }
0x69: {  	_ =	shalt  }
0x6a: {  	_ =	shalt  }
0x6b: {  	_ =	shalt  }
0x6c: {  	_ =	shalt  }
0x6d: {  	_ =	shalt  }
0x6e: {  	_ =	shalt  }
0x6f: {  	_ =	shalt  }
0x70: {  	_ =	shalt  }
0x71: {  	_ =	shalt  }
0x72: {  	_ =	shalt  }
0x73: {  	_ =	shalt  }
0x74: {  	_ =	shalt  }
0x75: {  	_ =	shalt  }
0x76: {  	_ =	shalt  }
0x77: {  	_ =	shalt  }
0x78: {  	_ =	shalt  }
0x79: {  	_ =	shalt  }
0x7a: {  	_ =	shalt  }
0x7b: {  	_ =	shalt  }
0x7c: {  	_ =	shalt  }
0x7d: {  	_ =	shalt  }
0x7e: {  	_ =	shalt  }
0x7f: {  	_ =	shalt  }
0x80: {  	_ =	shalt  }
0x81: {  	_ =	shalt  }
0x82: {  	_ =	shalt  }
0x83: {  	_ =	shalt  }
0x84: {  	_ =	shalt  }
0x85: {  	_ =	shalt  }
0x86: {  	_ =	shalt  }
0x87: {  	_ =	shalt  }
.Lfunc_end0:
.L_simem_size_0:
called_computation.1_lowered:
.L_overlay_start_0:
0x88: {  	s2 =	sld [smem:$0x3FD9]  }
0x89: {  	s3 =	sld [smem:$0x3FFE];
	_ =	sdelay $0x1  }
0x8a: {  	s1 =	srdreg.scid  }
0x8b: {  	s0 =	sand.u32 $0x1, s1  }
0x8c: {  	s17 =	sshll.u32 s0, $0xA;
	s2 =	sadd.s32 s3, s2  }
0x8d: {  	s2 =	sadd.s32 s2, s17  }
0x8e: {  	[smem:$0x3FC6] =	sst s2  }
0x8f: {  	_ = 	snop  }
0x90: {  	s2 =	sld [smem:$0x3FD0];
	(tm) =	ssettm $0x1  }
0x91: {  	s18 =	sld [smem:$0x3FFB];
	_ =	sdelay $0x3  }
0x92: {  	_ =	strace s18  }
0x93: {  	s3 =	sld [smem:$0x3FFC];
	_ =	sdelay $0x3  }
0x94: {  	_ =	strace s3  }
0x95: {  	s3 =	sld [smem:$0x3FFD];
	_ =	sdelay $0x3  }
0x96: {  	_ =	strace s3  }
0x97: {  	_ =	strace $0x8FFFFFFF  }
0x98: {  	s19 =	sld [smem:$0x3FDB];
	_ =	sdelay $0x1  }
0x99: {  	s4 =	simm.s32 $_scs_section_size  }
0x9a: {  	s5 =	simm.s32 $_size__tile_overlayer_lowered;
	s6 =	simm.s32 $_tile_overlayer_lowered  }
0x9b: {  	s22 =	simm.s32 $0x1BFF;
	s21 =	sshll.u32 s6, $0x1;
	s3 =	sadd.s32 s4, s19  }
0x9c: {  	s7 =	simm.s32 $0x0;
	s20 =	sshll.u32 s5, $0x1;
	s5 =	sadd.s32 s21, s3  }
0x9d: {  	[timem:s7], [sflag:s22] =	dma.local [hbm:s5], s20  }
0x9e: {  	_ =	swait.ge [sflag:s22], s20  }
0x9f: {  	s4 =	ssub.s32 $0x0, s20;
	[sflag:s22] =	ssyncset.done $0x0  }
0xa0: {  	[sflag:s22] =	ssyncadd.s32 s4;
	_ =	sdelay $0x1  }
0xa1: {  	s23 =	simm.s32 $0x1B8B  }
0xa2: {  	_ =	swait.ge [sflag:s23], $0x1  }
0xa3: {  	[sflag:s23] =	ssyncset.done $0x0  }
0xa4: {  	s25 =	simm.s32 $0x1B8E;
	s24 =	sld [smem:$0x3FFE];
	[sflag:s23] =	ssyncadd.s32 $0xFFFFFFFF  }
0xa5: {  	s26 =	simm.s32 $execute0_lowered;
	[smem:$0x3FD2] =	sst s25  }
0xa6: {  	s5 =	sshll.u32 s26, $0x1;
	_ =	strace $0x80000046;
	[dreg:$0x1] =	wrdreg $0xFFFFFFFF  }
0xa7: {  	s28 =	simm.s32 $_size_execute0_lowered;
	s3 =	sadd.s32 s3, s5;
	[dreg:$0x0] =	wrdreg $0x0  }
0xa8: {  	s5 =	sshll.u32 s28, $0x1;
	[dreg:$0x2] =	wrdreg s3  }
0xa9: {  	[dreg:$0x3] =	wrdreg s5  }
0xaa: {  	[dreg:$0x4] =	wrdreg $0xC0  }
0xab: {  	_ =	task [dreg:s7], $0x5FFFF  }
0xac: {  	[dreg:$0x1] =	wrdreg $0xFFFFFFFF  }
0xad: {  	[dreg:$0x0] =	wrdreg $0x60  }
0xae: {  	[dreg:$0x2] =	wrdreg s24  }
0xaf: {  	[dreg:$0x3] =	wrdreg s2  }
0xb0: {  	[dreg:$0x4] =	wrdreg $0x9  }
0xb1: {  	_ =	task.clear_ibuf [dreg:s7], $0x5FFFF;
	_ =	strace $0x90000046  }
0xb2: {  	s29 =	simm.s32 $0x9;
	_ =	strace $0x80000048  }
0xb3: {  	_ =	swait.ge [sflag:s29], $0x1  }
0xb4: {  	[sflag:s29] =	ssyncadd.s32 $0xFFFFFFFF  }
0xb5: {  	_ =	strace $0x90000048  }
0xb6: {  	_ =	sfence  }
0xb7: {  	s30 =	sld [smem:$0x0];
	_ =	sdelay $0x2  }
0xb8: {  	s31 =	sshll.u32 s1, $0xD;
	s1 =	sshrl.u32 s1, $0x2  }
0xb9: {  	s3 =	sand.u32 $0x4000, s31;
	s1 =	sadd.s32 s1, s30  }
0xba: {  	s0 =	sor.u32 s3, s0;
	s1 =	sshll.u32 s1, $0x11  }
0xbb: {  	s0 =	sor.u32 s1, s0  }
0xbc: {  	s0 =	sadd.s32 $0x8F2B, s0  }
0xbd: {  	[sflag:s0] =	ssyncadd.remote.s32 $0x1  }
0xbe: {  	_ =	sfence.sel $0xFFFF  }
0xbf: {  	[dreg:$0x0] =	wrdreg $0xFFFFFFFF;
	(pc) =	sbr.abs _section_cstart, $3  }
0xc0: {  	[dreg:$0x1] =	wrdreg $0xFFFFFFFF  }
0xc1: {  	_ =	task.clear_ibuf [dreg:s7], $0x2FFFF;
	_ =	strace $0x9FFFFFFF  }
0xc2: {  	(tm) =	ssettm $0x7FFFFFFF  }
0xc3: {  	_ =	shalt  }
tec
execute0_lowered:
.L_overlay_start_1:
0x0: {  	(tag) =	ssettag $0x1  }
0x1: {  	s0 =	rddreg [dreg:$0x0]  }
0x2: {  	s1 =	rddreg [dreg:$0x1];
	s2 =	simm.s32 $0x0;
	s3 =	srdreg.scid  }
0x3: {  	s11 =	stileid.u32;
	s29 =	simm.s32 $0x12400;
	s30 =	simm.s32 $0x1  }
0x4: {  	s28 =	simm.s32 $0x1A400;
	s31 =	simm.s32 $0x3;
	[smem:$0x7FF] =	sst s2  }
0x5: {  	s4 =	sand.u32 $0x1, s3;
	s12 =	sshll.u32 s11, $0x1;
	s20 =	smul.u32 $0xC8000, s11  }
0x6: {  	s5 =	sor.u32 s4, s12;
	s7 =	ssub.s32 $0x2, s4;
	s4 =	smul.u32 $0x64000, s4  }
0x7: {  	s3 =	sadd.s32 $0xF42E00, s0;
	s0 =	sadd.s32 $0xA00, s0;
	s6 =	smul.u32 $0x6400, s5  }
0x8: {  	s11 =	simm.s32 $0xB;
	_ =	strace $0x80000047;
	s8 =	smul.u32 $0x64000, s5  }
0x9: {  	s12 =	simm.s32 $0xC;
	s9 =	sshrl.u32 s7, $0x1;
	s6 =	sshrl.u32 s6, $0x3  }
0xa: {  	s10 =	smul.u32 $0x320000, s5;
	s5 =	sadd.s32 s0, s8;
	s1 =	sadd.s32 s1, s6  }
0xb: {  	s7 =	ssub.s32 s7, s9;
	s13 =	sadd.s32 $0x800, s5;
	[dreg:$0x3] =	wrdreg s1  }
0xc: {  	s9 =	simm.s32 $0x6;
	s14 =	sadd.s32 $0x1000, s5;
	[dreg:$0x4] =	wrdreg s13  }
0xd: {  	s15 =	sshrl.u32 s10, $0x3;
	s16 =	sadd.s32 $0x1800, s5;
	[dreg:$0x5] =	wrdreg s14  }
0xe: {  	s8 =	simm.s32 $0x9;
	s17 =	sadd.s32 $0x2000, s5;
	[dreg:$0x6] =	wrdreg s16  }
0xf: {  	s18 =	sadd.s32 $0x2800, s5;
	[dreg:$0x7] =	wrdreg s17;
	s1 =	sadd.s32 s0, s15  }
0x10: {  	s10 =	simm.s32 $0xA;
	[dreg:$0x8] =	wrdreg s18;
	s19 =	sadd.s32 $0x60000, s1  }
0x11: {  	s6 =	simm.s32 $0x8;
	s21 =	sadd.s32 $0x60800, s1;
	[dreg:$0x9] =	wrdreg s19  }
0x12: {  	s0 =	sadd.s32 s20, s0;
	s22 =	sadd.s32 $0x61000, s1;
	[dreg:$0xa] =	wrdreg s21  }
0x13: {  	s13 =	simm.s32 $0x0;
	s23 =	sadd.s32 $0x61800, s1;
	[dreg:$0xb] =	wrdreg s22  }
0x14: {  	s24 =	sadd.s32 $0x62000, s1;
	s25 =	sadd.s32 $0x62800, s1;
	[dreg:$0xc] =	wrdreg s23  }
0x15: {  	s26 =	sadd.s32 $0x63000, s1;
	s0 =	sadd.s32 s4, s0;
	[dreg:$0xd] =	wrdreg s24  }
0x16: {  	s18 =	sadd.s32 $0x63800, s1;
	s1 =	simm.s32 $0x2;
	[dreg:$0xe] =	wrdreg s25  }
0x17: {  	s4 =	simm.s32 $0x4;
	[dreg:$0xf] =	wrdreg s26;
	s19 =	smax.u32 s7, $0x1  }
0x18: {  	s20 =	sadd.s32 $0x3000, s0;
	s21 =	simm.s32 $0xD;
	s22 =	simm.s32 $0x80  }
0x19: {  	s23 =	simm.s32 $0x6400;
	s24 =	simm.s32 $0xA400;
	s26 =	simm.s32 $0xE400  }
0x1a: {  	s0 =	simm.s32 $0x16400;
	s25 =	simm.s32 $0x7;
	s7 =	simm.s32 $0x5  }
.LBB2_1:
0x1b: {  	s14 =	rddreg [dreg:$0x3]  }
0x1c: {  	[tilespmem:s2], [sflag:$0xD] =	stream.linear.gather [hbm4b:s14+s2], $0x6400, $0x38;
	[tilespmem:$0x1E400] =	vst v63  }
0x1d: {  	_ =	swait.ge [sflag:s21], $0x6400  }
0x1e: {  	[sflag:s21] =	ssyncset.done $0x0  }
0x1f: {  	[sflag:s21] =	ssyncadd.s32 $0xFFFF9C00  }
0x20: {  	[tilespmem:s23], [sflag:$0x1] =	stream.indirect.gather [hbm4b:s3+s22], $0x80, s2, s22, $0xb8;
	[tilespmem:$0x1E400] =	vst v63  }
0x21: {  	_ = 	snop  }
0x22: {  	[tilespmem:s24], [sflag:$0x2] =	stream.indirect.gather [hbm4b:s3+s22], $0x80, s22, s22, $0xb8;
	[tilespmem:$0x1E400] =	vst v63  }
0x23: {  	s17 =	simm.s32 $0x100  }
0x24: {  	[tilespmem:s26], [sflag:$0x3] =	stream.indirect.gather [hbm4b:s3+s22], $0x80, s17, s22, $0xb8;
	[tilespmem:$0x1E400] =	vst v63  }
0x25: {  	s15 =	simm.s32 $0x180  }
0x26: {  	[tilespmem:s29], [sflag:$0x4] =	stream.indirect.gather [hbm4b:s3+s22], $0x80, s15, s22, $0xb8;
	[tilespmem:$0x1E400] =	vst v63  }
0x27: {  	_ =	swait.ge [sflag:s30], $0x4000  }
0x28: {  	[sflag:s30] =	ssyncset.done $0x0  }
0x29: {  	[sflag:s30] =	ssyncadd.s32 $0xFFFFC000  }
0x2a: {  	[hbm4b:s5+s2] =	stream.linear.scatter [tilespmem:s23], [sflag:$0x7], $0x4000, $0x38;
	[tilespmem:$0x1E400] =	vst v63  }
0x2b: {  	s16 =	simm.s32 $0x200  }
0x2c: {  	[tilespmem:s0], [sflag:$0x5] =	stream.indirect.gather [hbm4b:s3+s22], $0x80, s16, s22, $0xb8;
	[tilespmem:$0x1E400] =	vst v63  }
0x2d: {  	_ =	swait.ge [sflag:s1], $0x4000  }
0x2e: {  	[sflag:s1] =	ssyncset.done $0x0  }
0x2f: {  	s17 =	rddreg [dreg:$0x4];
	[sflag:s1] =	ssyncadd.s32 $0xFFFFC000  }
0x30: {  	[hbm4b:s17+s2] =	stream.linear.scatter [tilespmem:s24], [sflag:$0x8], $0x4000, $0x38;
	[tilespmem:$0x1E400] =	vst v63  }
0x31: {  	s15 =	simm.s32 $0x280  }
0x32: {  	[tilespmem:s28], [sflag:$0x6] =	stream.indirect.gather [hbm4b:s3+s22], $0x80, s15, s22, $0xb8;
	[tilespmem:$0x1E400] =	vst v63  }
0x33: {  	_ =	swait.ge [sflag:s31], $0x4000  }
0x34: {  	[sflag:s31] =	ssyncset.done $0x0  }
0x35: {  	s16 =	rddreg [dreg:$0x5];
	[sflag:s31] =	ssyncadd.s32 $0xFFFFC000  }
0x36: {  	[hbm4b:s16+s2] =	stream.linear.scatter [tilespmem:s26], [sflag:$0x9], $0x4000, $0x38;
	[tilespmem:$0x1E400] =	vst v63  }
0x37: {  	_ =	swait.ge [sflag:s25], $0x4000  }
0x38: {  	[sflag:s25] =	ssyncset.done $0x0  }
0x39: {  	s17 =	simm.s32 $0x300;
	[sflag:s25] =	ssyncadd.s32 $0xFFFFC000  }
0x3a: {  	[tilespmem:s23], [sflag:$0x1] =	stream.indirect.gather [hbm4b:s3+s22], $0x80, s17, s22, $0xb8;
	[tilespmem:$0x1E400] =	vst v63  }
0x3b: {  	_ =	swait.ge [sflag:s4], $0x4000  }
0x3c: {  	[sflag:s4] =	ssyncset.done $0x0  }
0x3d: {  	s15 =	rddreg [dreg:$0x6];
	[sflag:s4] =	ssyncadd.s32 $0xFFFFC000  }
0x3e: {  	[hbm4b:s15+s2] =	stream.linear.scatter [tilespmem:s29], [sflag:$0xA], $0x4000, $0x38;
	[tilespmem:$0x1E400] =	vst v63  }
0x3f: {  	_ =	swait.ge [sflag:s6], $0x4000  }
0x40: {  	[sflag:s6] =	ssyncset.done $0x0  }
0x41: {  	s16 =	simm.s32 $0x380;
	[sflag:s6] =	ssyncadd.s32 $0xFFFFC000  }
0x42: {  	[tilespmem:s24], [sflag:$0x2] =	stream.indirect.gather [hbm4b:s3+s22], $0x80, s16, s22, $0xb8;
	[tilespmem:$0x1E400] =	vst v63  }
0x43: {  	_ =	swait.ge [sflag:s7], $0x4000  }
0x44: {  	[sflag:s7] =	ssyncset.done $0x0  }
0x45: {  	s17 =	rddreg [dreg:$0x7];
	[sflag:s7] =	ssyncadd.s32 $0xFFFFC000  }
0x46: {  	[hbm4b:s17+s2] =	stream.linear.scatter [tilespmem:s0], [sflag:$0xB], $0x4000, $0x38;
	[tilespmem:$0x1E400] =	vst v63  }
0x47: {  	_ =	swait.ge [sflag:s8], $0x4000  }
0x48: {  	[sflag:s8] =	ssyncset.done $0x0  }
0x49: {  	s15 =	simm.s32 $0x400;
	[sflag:s8] =	ssyncadd.s32 $0xFFFFC000  }
0x4a: {  	[tilespmem:s26], [sflag:$0x3] =	stream.indirect.gather [hbm4b:s3+s22], $0x80, s15, s22, $0xb8;
	[tilespmem:$0x1E400] =	vst v63  }
0x4b: {  	_ =	swait.ge [sflag:s9], $0x4000  }
0x4c: {  	[sflag:s9] =	ssyncset.done $0x0  }
0x4d: {  	s16 =	rddreg [dreg:$0x8];
	[sflag:s9] =	ssyncadd.s32 $0xFFFFC000  }
0x4e: {  	[hbm4b:s16+s2] =	stream.linear.scatter [tilespmem:s28], [sflag:$0xC], $0x4000, $0x38;
	[tilespmem:$0x1E400] =	vst v63  }
0x4f: {  	_ =	swait.ge [sflag:s10], $0x4000  }
0x50: {  	[sflag:s10] =	ssyncset.done $0x0  }
0x51: {  	s17 =	simm.s32 $0x480;
	[sflag:s10] =	ssyncadd.s32 $0xFFFFC000  }
0x52: {  	[tilespmem:s29], [sflag:$0x4] =	stream.indirect.gather [hbm4b:s3+s22], $0x80, s17, s22, $0xb8;
	[tilespmem:$0x1E400] =	vst v63  }
0x53: {  	_ =	swait.ge [sflag:s30], $0x4000  }
0x54: {  	[sflag:s30] =	ssyncset.done $0x0  }
0x55: {  	[sflag:s30] =	ssyncadd.s32 $0xFFFFC000  }
0x56: {  	[hbm4b:s20+s2] =	stream.linear.scatter [tilespmem:s23], [sflag:$0x7], $0x4000, $0x38;
	[tilespmem:$0x1E400] =	vst v63  }
0x57: {  	_ =	swait.ge [sflag:s11], $0x4000  }
0x58: {  	[sflag:s11] =	ssyncset.done $0x0  }
0x59: {  	s15 =	simm.s32 $0x500;
	[sflag:s11] =	ssyncadd.s32 $0xFFFFC000  }
0x5a: {  	[tilespmem:s0], [sflag:$0x5] =	stream.indirect.gather [hbm4b:s3+s22], $0x80, s15, s22, $0xb8;
	[tilespmem:$0x1E400] =	vst v63  }
0x5b: {  	_ =	swait.ge [sflag:s1], $0x4000  }
0x5c: {  	[sflag:s1] =	ssyncset.done $0x0  }
0x5d: {  	s16 =	sadd.s32 $0x800, s20;
	[sflag:s1] =	ssyncadd.s32 $0xFFFFC000  }
0x5e: {  	[hbm4b:s16+s2] =	stream.linear.scatter [tilespmem:s24], [sflag:$0x8], $0x4000, $0x38;
	[tilespmem:$0x1E400] =	vst v63  }
0x5f: {  	_ =	swait.ge [sflag:s12], $0x4000  }
0x60: {  	[sflag:s12] =	ssyncset.done $0x0  }
0x61: {  	s17 =	simm.s32 $0x580;
	[sflag:s12] =	ssyncadd.s32 $0xFFFFC000  }
0x62: {  	[tilespmem:s28], [sflag:$0x6] =	stream.indirect.gather [hbm4b:s3+s22], $0x80, s17, s22, $0xb8;
	[tilespmem:$0x1E400] =	vst v63  }
0x63: {  	_ =	swait.ge [sflag:s31], $0x4000  }
0x64: {  	[sflag:s31] =	ssyncset.done $0x0  }
0x65: {  	s15 =	sadd.s32 $0x1000, s20;
	[sflag:s31] =	ssyncadd.s32 $0xFFFFC000  }
0x66: {  	[hbm4b:s15+s2] =	stream.linear.scatter [tilespmem:s26], [sflag:$0x9], $0x4000, $0x38;
	[tilespmem:$0x1E400] =	vst v63  }
0x67: {  	_ =	swait.ge [sflag:s25], $0x4000  }
0x68: {  	[sflag:s25] =	ssyncset.done $0x0  }
0x69: {  	s16 =	simm.s32 $0x600;
	[sflag:s25] =	ssyncadd.s32 $0xFFFFC000  }
0x6a: {  	[tilespmem:s23], [sflag:$0x1] =	stream.indirect.gather [hbm4b:s3+s22], $0x80, s16, s22, $0xb8;
	[tilespmem:$0x1E400] =	vst v63  }
0x6b: {  	_ =	swait.ge [sflag:s4], $0x4000  }
0x6c: {  	[sflag:s4] =	ssyncset.done $0x0  }
0x6d: {  	s17 =	sadd.s32 $0x1800, s20;
	[sflag:s4] =	ssyncadd.s32 $0xFFFFC000  }
0x6e: {  	[hbm4b:s17+s2] =	stream.linear.scatter [tilespmem:s29], [sflag:$0xA], $0x4000, $0x38;
	[tilespmem:$0x1E400] =	vst v63  }
0x6f: {  	_ =	swait.ge [sflag:s6], $0x4000  }
0x70: {  	[sflag:s6] =	ssyncset.done $0x0  }
0x71: {  	s15 =	simm.s32 $0x680;
	[sflag:s6] =	ssyncadd.s32 $0xFFFFC000  }
0x72: {  	[tilespmem:s24], [sflag:$0x2] =	stream.indirect.gather [hbm4b:s3+s22], $0x80, s15, s22, $0xb8;
	[tilespmem:$0x1E400] =	vst v63  }
0x73: {  	_ =	swait.ge [sflag:s7], $0x4000  }
0x74: {  	[sflag:s7] =	ssyncset.done $0x0  }
0x75: {  	s16 =	sadd.s32 $0x2000, s20;
	[sflag:s7] =	ssyncadd.s32 $0xFFFFC000  }
0x76: {  	[hbm4b:s16+s2] =	stream.linear.scatter [tilespmem:s0], [sflag:$0xB], $0x4000, $0x38;
	[tilespmem:$0x1E400] =	vst v63  }
0x77: {  	_ =	swait.ge [sflag:s8], $0x4000  }
0x78: {  	[sflag:s8] =	ssyncset.done $0x0  }
0x79: {  	s17 =	simm.s32 $0x700;
	[sflag:s8] =	ssyncadd.s32 $0xFFFFC000  }
0x7a: {  	[tilespmem:s26], [sflag:$0x3] =	stream.indirect.gather [hbm4b:s3+s22], $0x80, s17, s22, $0xb8;
	[tilespmem:$0x1E400] =	vst v63  }
0x7b: {  	_ =	swait.ge [sflag:s9], $0x4000  }
0x7c: {  	s14 =	simm.s32 $0xC00;
	[sflag:s9] =	ssyncset.done $0x0  }
0x7d: {  	s15 =	sadd.s32 $0x3000, s20;
	s16 =	sadd.s32 $0x2800, s20;
	[sflag:s9] =	ssyncadd.s32 $0xFFFFC000  }
.LBB2_2:
0x7e: {  	[hbm4b:s16+s2] =	stream.linear.scatter [tilespmem:s28], [sflag:$0xC], $0x4000, $0x38;
	[tilespmem:$0x1E400] =	vst v63  }
0x7f: {  	s16 =	smov.u32 s14  }
0x80: {  	p0 =	sne.s32 s14, $0x16800;
	s14 =	sadd.s32 $0xC00, s14;
	_ =	swait.ge [sflag:s10], $0x4000  }
0x81: {  	s16 =	sshra.s32 s16, $0x2;
	[sflag:s10] =	ssyncset.done $0x0  }
0x82: {  	s17 =	sadd.s32 $0x480, s16;
	[sflag:s10] =	ssyncadd.s32 $0xFFFFC000  }
0x83: {  	[tilespmem:s29], [sflag:$0x4] =	stream.indirect.gather [hbm4b:s3+s22], $0x80, s17, s22, $0xb8;
	[tilespmem:$0x1E400] =	vst v63  }
0x84: {  	_ =	swait.ge [sflag:s30], $0x4000  }
0x85: {  	[sflag:s30] =	ssyncset.done $0x0  }
0x86: {  	[sflag:s30] =	ssyncadd.s32 $0xFFFFC000  }
0x87: {  	[hbm4b:s15+s2] =	stream.linear.scatter [tilespmem:s23], [sflag:$0x7], $0x4000, $0x38;
	[tilespmem:$0x1E400] =	vst v63  }
0x88: {  	_ =	swait.ge [sflag:s11], $0x4000  }
0x89: {  	[sflag:s11] =	ssyncset.done $0x0  }
0x8a: {  	s17 =	sadd.s32 $0x500, s16;
	[sflag:s11] =	ssyncadd.s32 $0xFFFFC000  }
0x8b: {  	[tilespmem:s0], [sflag:$0x5] =	stream.indirect.gather [hbm4b:s3+s22], $0x80, s17, s22, $0xb8;
	[tilespmem:$0x1E400] =	vst v63  }
0x8c: {  	_ =	swait.ge [sflag:s1], $0x4000  }
0x8d: {  	[sflag:s1] =	ssyncset.done $0x0  }
0x8e: {  	s17 =	sadd.s32 $0x800, s15;
	[sflag:s1] =	ssyncadd.s32 $0xFFFFC000  }
0x8f: {  	[hbm4b:s17+s2] =	stream.linear.scatter [tilespmem:s24], [sflag:$0x8], $0x4000, $0x38;
	[tilespmem:$0x1E400] =	vst v63  }
0x90: {  	_ =	swait.ge [sflag:s12], $0x4000  }
0x91: {  	[sflag:s12] =	ssyncset.done $0x0  }
0x92: {  	s17 =	sadd.s32 $0x580, s16;
	[sflag:s12] =	ssyncadd.s32 $0xFFFFC000  }
0x93: {  	[tilespmem:s28], [sflag:$0x6] =	stream.indirect.gather [hbm4b:s3+s22], $0x80, s17, s22, $0xb8;
	[tilespmem:$0x1E400] =	vst v63  }
0x94: {  	_ =	swait.ge [sflag:s31], $0x4000  }
0x95: {  	[sflag:s31] =	ssyncset.done $0x0  }
0x96: {  	s17 =	sadd.s32 $0x1000, s15;
	[sflag:s31] =	ssyncadd.s32 $0xFFFFC000  }
0x97: {  	[hbm4b:s17+s2] =	stream.linear.scatter [tilespmem:s26], [sflag:$0x9], $0x4000, $0x38;
	[tilespmem:$0x1E400] =	vst v63  }
0x98: {  	_ =	swait.ge [sflag:s25], $0x4000  }
0x99: {  	[sflag:s25] =	ssyncset.done $0x0  }
0x9a: {  	s17 =	sadd.s32 $0x600, s16;
	[sflag:s25] =	ssyncadd.s32 $0xFFFFC000  }
0x9b: {  	[tilespmem:s23], [sflag:$0x1] =	stream.indirect.gather [hbm4b:s3+s22], $0x80, s17, s22, $0xb8;
	[tilespmem:$0x1E400] =	vst v63  }
0x9c: {  	_ =	swait.ge [sflag:s4], $0x4000  }
0x9d: {  	[sflag:s4] =	ssyncset.done $0x0  }
0x9e: {  	s17 =	sadd.s32 $0x1800, s15;
	[sflag:s4] =	ssyncadd.s32 $0xFFFFC000  }
0x9f: {  	[hbm4b:s17+s2] =	stream.linear.scatter [tilespmem:s29], [sflag:$0xA], $0x4000, $0x38;
	[tilespmem:$0x1E400] =	vst v63  }
0xa0: {  	_ =	swait.ge [sflag:s6], $0x4000  }
0xa1: {  	[sflag:s6] =	ssyncset.done $0x0  }
0xa2: {  	s17 =	sadd.s32 $0x680, s16;
	[sflag:s6] =	ssyncadd.s32 $0xFFFFC000  }
0xa3: {  	[tilespmem:s24], [sflag:$0x2] =	stream.indirect.gather [hbm4b:s3+s22], $0x80, s17, s22, $0xb8;
	[tilespmem:$0x1E400] =	vst v63  }
0xa4: {  	_ =	swait.ge [sflag:s7], $0x4000  }
0xa5: {  	[sflag:s7] =	ssyncset.done $0x0  }
0xa6: {  	s17 =	sadd.s32 $0x2000, s15;
	[sflag:s7] =	ssyncadd.s32 $0xFFFFC000  }
0xa7: {  	[hbm4b:s17+s2] =	stream.linear.scatter [tilespmem:s0], [sflag:$0xB], $0x4000, $0x38;
	[tilespmem:$0x1E400] =	vst v63  }
0xa8: {  	_ =	swait.ge [sflag:s8], $0x4000  }
0xa9: {  	[sflag:s8] =	ssyncset.done $0x0  }
.Ltmp0:
0xaa: {  	s16 =	sadd.s32 $0x700, s16;
	[sflag:s8] =	ssyncadd.s32 $0xFFFFC000;
	(pc) =	sbr.rel @p0 .LBB2_2-.Ltmp0, $4  }
0xab: {  	[tilespmem:s26], [sflag:$0x3] =	stream.indirect.gather [hbm4b:s3+s22], $0x80, s16, s22, $0xb8;
	[tilespmem:$0x1E400] =	vst v63  }
0xac: {  	_ =	swait.ge [sflag:s9], $0x4000  }
0xad: {  	[sflag:s9] =	ssyncset.done $0x0  }
0xae: {  	s16 =	sadd.s32 $0x2800, s15;
	s15 =	sadd.s32 $0x3000, s15;
	[sflag:s9] =	ssyncadd.s32 $0xFFFFC000  }
0xaf: {  	[hbm4b:s16+s2] =	stream.linear.scatter [tilespmem:s28], [sflag:$0xC], $0x4000, $0x38;
	[tilespmem:$0x1E400] =	vst v63  }
0xb0: {  	_ =	swait.ge [sflag:s10], $0x4000  }
0xb1: {  	[sflag:s10] =	ssyncset.done $0x0  }
0xb2: {  	s14 =	simm.s32 $0x6180;
	[sflag:s10] =	ssyncadd.s32 $0xFFFFC000  }
0xb3: {  	[tilespmem:s29], [sflag:$0x4] =	stream.indirect.gather [hbm4b:s3+s22], $0x80, s14, s22, $0xb8;
	[tilespmem:$0x1E400] =	vst v63  }
0xb4: {  	_ =	swait.ge [sflag:s30], $0x4000  }
0xb5: {  	[sflag:s30] =	ssyncset.done $0x0  }
0xb6: {  	s16 =	rddreg [dreg:$0x9];
	[sflag:s30] =	ssyncadd.s32 $0xFFFFC000  }
0xb7: {  	[hbm4b:s16+s2] =	stream.linear.scatter [tilespmem:s23], [sflag:$0x7], $0x4000, $0x38;
	[tilespmem:$0x1E400] =	vst v63  }
0xb8: {  	_ =	swait.ge [sflag:s11], $0x4000  }
0xb9: {  	[sflag:s11] =	ssyncset.done $0x0  }
0xba: {  	s17 =	simm.s32 $0x6200;
	[sflag:s11] =	ssyncadd.s32 $0xFFFFC000  }
0xbb: {  	[tilespmem:s0], [sflag:$0x5] =	stream.indirect.gather [hbm4b:s3+s22], $0x80, s17, s22, $0xb8;
	[tilespmem:$0x1E400] =	vst v63  }
0xbc: {  	_ =	swait.ge [sflag:s1], $0x4000  }
0xbd: {  	[sflag:s1] =	ssyncset.done $0x0  }
0xbe: {  	s15 =	rddreg [dreg:$0xa];
	[sflag:s1] =	ssyncadd.s32 $0xFFFFC000  }
0xbf: {  	[hbm4b:s15+s2] =	stream.linear.scatter [tilespmem:s24], [sflag:$0x8], $0x4000, $0x38;
	[tilespmem:$0x1E400] =	vst v63  }
0xc0: {  	_ =	swait.ge [sflag:s12], $0x4000  }
0xc1: {  	[sflag:s12] =	ssyncset.done $0x0  }
0xc2: {  	s16 =	simm.s32 $0x6280;
	[sflag:s12] =	ssyncadd.s32 $0xFFFFC000  }
0xc3: {  	[tilespmem:s28], [sflag:$0x6] =	stream.indirect.gather [hbm4b:s3+s22], $0x80, s16, s22, $0xb8;
	[tilespmem:$0x1E400] =	vst v63  }
0xc4: {  	_ =	swait.ge [sflag:s31], $0x4000  }
0xc5: {  	[sflag:s31] =	ssyncset.done $0x0  }
0xc6: {  	s17 =	rddreg [dreg:$0xb];
	[sflag:s31] =	ssyncadd.s32 $0xFFFFC000  }
0xc7: {  	[hbm4b:s17+s2] =	stream.linear.scatter [tilespmem:s26], [sflag:$0x9], $0x4000, $0x38;
	[tilespmem:$0x1E400] =	vst v63  }
0xc8: {  	_ =	swait.ge [sflag:s25], $0x4000  }
0xc9: {  	[sflag:s25] =	ssyncset.done $0x0  }
0xca: {  	s15 =	simm.s32 $0x6300;
	[sflag:s25] =	ssyncadd.s32 $0xFFFFC000  }
0xcb: {  	[tilespmem:s23], [sflag:$0x1] =	stream.indirect.gather [hbm4b:s3+s22], $0x80, s15, s22, $0xb8;
	[tilespmem:$0x1E400] =	vst v63  }
0xcc: {  	_ =	swait.ge [sflag:s4], $0x4000  }
0xcd: {  	[sflag:s4] =	ssyncset.done $0x0  }
0xce: {  	s16 =	rddreg [dreg:$0xc];
	[sflag:s4] =	ssyncadd.s32 $0xFFFFC000  }
0xcf: {  	[hbm4b:s16+s2] =	stream.linear.scatter [tilespmem:s29], [sflag:$0xA], $0x4000, $0x38;
	[tilespmem:$0x1E400] =	vst v63  }
0xd0: {  	_ =	swait.ge [sflag:s6], $0x4000  }
0xd1: {  	[sflag:s6] =	ssyncset.done $0x0  }
0xd2: {  	s17 =	simm.s32 $0x6380;
	[sflag:s6] =	ssyncadd.s32 $0xFFFFC000  }
0xd3: {  	[tilespmem:s24], [sflag:$0x2] =	stream.indirect.gather [hbm4b:s3+s22], $0x80, s17, s22, $0xb8;
	[tilespmem:$0x1E400] =	vst v63  }
0xd4: {  	_ =	swait.ge [sflag:s7], $0x4000  }
0xd5: {  	[sflag:s7] =	ssyncset.done $0x0  }
0xd6: {  	s15 =	rddreg [dreg:$0xd];
	[sflag:s7] =	ssyncadd.s32 $0xFFFFC000  }
0xd7: {  	[hbm4b:s15+s2] =	stream.linear.scatter [tilespmem:s0], [sflag:$0xB], $0x4000, $0x38;
	[tilespmem:$0x1E400] =	vst v63  }
0xd8: {  	_ =	swait.ge [sflag:s9], $0x4000  }
0xd9: {  	[sflag:s9] =	ssyncset.done $0x0  }
0xda: {  	s16 =	rddreg [dreg:$0xe];
	[sflag:s9] =	ssyncadd.s32 $0xFFFFC000  }
0xdb: {  	[hbm4b:s16+s2] =	stream.linear.scatter [tilespmem:s28], [sflag:$0xC], $0x4000, $0x38;
	[tilespmem:$0x1E400] =	vst v63  }
0xdc: {  	_ =	swait.ge [sflag:s30], $0x4000  }
0xdd: {  	[sflag:s30] =	ssyncset.done $0x0  }
0xde: {  	s17 =	rddreg [dreg:$0xf];
	[sflag:s30] =	ssyncadd.s32 $0xFFFFC000  }
0xdf: {  	[hbm4b:s17+s2] =	stream.linear.scatter [tilespmem:s23], [sflag:$0x7], $0x4000, $0x38;
	[tilespmem:$0x1E400] =	vst v63  }
0xe0: {  	_ =	swait.ge [sflag:s1], $0x4000  }
0xe1: {  	[sflag:s1] =	ssyncset.done $0x0  }
0xe2: {  	[sflag:s1] =	ssyncadd.s32 $0xFFFFC000  }
0xe3: {  	[hbm4b:s18+s2] =	stream.linear.scatter [tilespmem:s24], [sflag:$0x8], $0x4000, $0x38;
	[tilespmem:$0x1E400] =	vst v63  }
0xe4: {  	_ =	swait.ge [sflag:s25], $0x4000  }
0xe5: {  	[sflag:s25] =	ssyncset.done $0x0  }
0xe6: {  	[sflag:s25] =	ssyncadd.s32 $0xFFFFC000  }
0xe7: {  	_ =	swait.ge [sflag:s6], $0x4000  }
0xe8: {  	[sflag:s6] =	ssyncset.done $0x0  }
0xe9: {  	[sflag:s6] =	ssyncadd.s32 $0xFFFFC000  }
0xea: {  	_ =	swait.ge [sflag:s8], $0x4000  }
0xeb: {  	[sflag:s8] =	ssyncset.done $0x0  }
0xec: {  	[sflag:s8] =	ssyncadd.s32 $0xFFFFC000  }
0xed: {  	_ =	swait.ge [sflag:s10], $0x4000  }
0xee: {  	[sflag:s10] =	ssyncset.done $0x0  }
0xef: {  	s13 =	sadd.s32 $0x1, s13;
	[sflag:s10] =	ssyncadd.s32 $0xFFFFC000  }
0xf0: {  	p0 =	sne.s32 s13, s19;
	_ =	swait.ge [sflag:s11], $0x4000  }
.Ltmp1:
0xf1: {  	[sflag:s11] =	ssyncset.done $0x0;
	(pc) =	sbr.rel @p0 .LBB2_1-.Ltmp1, $4  }
0xf2: {  	[sflag:s11] =	ssyncadd.s32 $0xFFFFC000  }
0xf3: {  	_ =	swait.ge [sflag:s12], $0x4000  }
0xf4: {  	[sflag:s12] =	ssyncset.done $0x0  }
0xf5: {  	[sflag:s12] =	ssyncadd.s32 $0xFFFFC000  }
0xf6: {  	_ =	sfence.sel $0x180000  }
0xf7: {  	[bflag:$0x0] =	sbarrier.arrive $0xFFFF  }
0xf8: {  	_ =	strace $0x90000047  }
0xf9: {  	s0 =	stileid.u32;
	[bflag:$0x2] =	sbarrier.arrive $0xFFFF  }
0xfa: {  	p0 =	sne.s32 s0, $0x0;
	s0 =	rddreg [dreg:$0x2]  }
0xfb: {  	s0 =	sadd.s32 @!p0 $0x100000, s0  }
0xfc: {  	[sflag:s0] =	ssyncadd.tile.s32 @!p0 $0x1;
	_ =	shalt  }
.Lfunc_end2:
_tile_overlayer_lowered:
.L_overlay_start_2:
0xfd: {  	(tag) =	ssettag $0x2  }
0xfe: {  	s0 =	rddreg [dreg:$0x0];
	s2 =	stileid.u32  }
0xff: {  	s1 =	rddreg [dreg:$0x1];
	p0 =	sne.s32 s2, $0x0  }
0x100: {  	s3 =	rddreg [dreg:$0x2];
	[bflag:$0x3] =	sbarrier.arrive $0xFFFF;
	s2 =	simm.s32 @!p0 $0x1C0D  }
0x101: {  	[timem:s3], [sflag:s2] =	dma.local @!p0 [hbm:s0], s1  }
0x102: {  	s0 =	simm.s32 @!p0 $0xD  }
0x103: {  	_ =	swait.ge @!p0 [sflag:s0], s1  }
0x104: {  	s1 =	ssub.s32 @!p0 $0x0, s1;
	[sflag:s0] =	ssyncset.done @!p0 $0x0  }
0x105: {  	[sflag:s0] =	ssyncadd.s32 @!p0 s1  }
0x106: {  	[bflag:$0x3] =	sbarrier.arrive $0xFFFF  }
0x107: {  	_ =	shalt  }

// kernel: sparse-core-data-format-call.cloned.1.call-start
scs
called_computation_lowered:
.L_overlay_start_0:
0x0: {  	s2 =	sld [smem:$0x3FD9]  }
0x1: {  	s3 =	sld [smem:$0x3FFE];
	_ =	sdelay $0x1  }
0x2: {  	s1 =	srdreg.scid  }
0x3: {  	s0 =	sand.u32 $0x1, s1  }
0x4: {  	s18 =	sshll.u32 s0, $0xA;
	s2 =	sadd.s32 s3, s2  }
0x5: {  	s2 =	sadd.s32 s2, s18  }
0x6: {  	[smem:$0x3FC6] =	sst s2  }
0x7: {  	_ = 	snop  }
0x8: {  	s2 =	sld [smem:$0x3FD0];
	(tm) =	ssettm $0x1  }
0x9: {  	s19 =	sld [smem:$0x3FFB];
	_ =	sdelay $0x3  }
0xa: {  	_ =	strace s19  }
0xb: {  	s3 =	sld [smem:$0x3FFC];
	_ =	sdelay $0x3  }
0xc: {  	_ =	strace s3  }
0xd: {  	s3 =	sld [smem:$0x3FFD];
	_ =	sdelay $0x3  }
0xe: {  	_ =	strace s3  }
0xf: {  	_ =	strace $0x8FFFFFFF  }
0x10: {  	s20 =	sld [smem:$0x3FDB];
	_ =	sdelay $0x1  }
0x11: {  	s4 =	simm.s32 $_scs_section_size  }
0x12: {  	s5 =	simm.s32 $_size__tile_overlayer_lowered;
	s6 =	simm.s32 $_tile_overlayer_lowered  }
0x13: {  	s23 =	simm.s32 $0x1BFF;
	s22 =	sshll.u32 s6, $0x1;
	s3 =	sadd.s32 s4, s20  }
0x14: {  	s7 =	simm.s32 $0x0;
	s21 =	sshll.u32 s5, $0x1;
	s5 =	sadd.s32 s22, s3  }
0x15: {  	[timem:s7], [sflag:s23] =	dma.local [hbm:s5], s21  }
0x16: {  	_ =	swait.ge [sflag:s23], s21  }
0x17: {  	s4 =	ssub.s32 $0x0, s21;
	[sflag:s23] =	ssyncset.done $0x0  }
0x18: {  	[sflag:s23] =	ssyncadd.s32 s4;
	_ =	sdelay $0x1  }
0x19: {  	s24 =	simm.s32 $0x1B8B  }
0x1a: {  	_ =	swait.ge [sflag:s24], $0x1  }
0x1b: {  	[sflag:s24] =	ssyncset.done $0x0  }
0x1c: {  	s26 =	simm.s32 $0x1B8E;
	s25 =	sld [smem:$0x3FFE];
	[sflag:s24] =	ssyncadd.s32 $0xFFFFFFFF  }
0x1d: {  	s27 =	simm.s32 $execute0_lowered;
	[smem:$0x3FD2] =	sst s26  }
0x1e: {  	s5 =	sshll.u32 s27, $0x1;
	_ =	strace $0x80000049;
	[dreg:$0x1] =	wrdreg $0xFFFFFFFF  }
0x1f: {  	s28 =	simm.s32 $_size_execute0_lowered;
	s3 =	sadd.s32 s3, s5;
	[dreg:$0x0] =	wrdreg $0x0  }
0x20: {  	s5 =	sshll.u32 s28, $0x1;
	[dreg:$0x2] =	wrdreg s3  }
0x21: {  	[dreg:$0x3] =	wrdreg s5  }
0x22: {  	[dreg:$0x4] =	wrdreg $0xC0  }
0x23: {  	_ =	task [dreg:s7], $0x5FFFF  }
0x24: {  	[dreg:$0x1] =	wrdreg $0xFFFFFFFF  }
0x25: {  	[dreg:$0x0] =	wrdreg $0x60  }
0x26: {  	[dreg:$0x2] =	wrdreg s25  }
0x27: {  	[dreg:$0x3] =	wrdreg s2  }
0x28: {  	[dreg:$0x4] =	wrdreg $0x9  }
0x29: {  	_ =	task.clear_ibuf [dreg:s7], $0x5FFFF;
	_ =	strace $0x90000049  }
0x2a: {  	s29 =	simm.s32 $0x9;
	_ =	strace $0x8000004B  }
0x2b: {  	_ =	swait.ge [sflag:s29], $0x1  }
0x2c: {  	[sflag:s29] =	ssyncadd.s32 $0xFFFFFFFF  }
0x2d: {  	_ =	strace $0x9000004B  }
0x2e: {  	_ =	sfence  }
0x2f: {  	s30 =	sld [smem:$0x0];
	_ =	sdelay $0x2  }
0x30: {  	s31 =	sshll.u32 s1, $0xD;
	s1 =	sshrl.u32 s1, $0x2  }
0x31: {  	s3 =	sand.u32 $0x4000, s31;
	s1 =	sadd.s32 s1, s30  }
0x32: {  	s0 =	sor.u32 s3, s0;
	s1 =	sshll.u32 s1, $0x11  }
0x33: {  	s0 =	sor.u32 s1, s0  }
0x34: {  	s0 =	sadd.s32 $0x8F2B, s0  }
0x35: {  	[sflag:s0] =	ssyncadd.remote.s32 $0x1  }
0x36: {  	_ =	sfence.sel $0xFFFF  }
0x37: {  	[dreg:$0x0] =	wrdreg $0xFFFFFFFF;
	(pc) =	sbr.abs _section_cstart, $3  }
0x38: {  	[dreg:$0x1] =	wrdreg $0xFFFFFFFF  }
0x39: {  	_ =	task.clear_ibuf [dreg:s7], $0x2FFFF;
	_ =	strace $0x9FFFFFFF  }
0x3a: {  	(tm) =	ssettm $0x7FFFFFFF  }
0x3b: {  	_ =	shalt  }
tec
execute0_lowered:
.L_overlay_start_1:
0x0: {  	(tag) =	ssettag $0x1  }
0x1: {  	s0 =	srdreg.scid  }
0x2: {  	s1 =	sshll.u32 s0, $0x4  }
0x3: {  	s0 =	stileid.u32;
	s1 =	sand.u32 $0x10, s1  }
0x4: {  	s1 =	sor.u32 s0, s1  }
0x5: {  	s6 =	rddreg [dreg:$0x0];
	s4 =	simm.s32 $0x1;
	s2 =	sshll.u32 s1, $0x7  }
0x6: {  	s7 =	simm.s32 $0x2;
	s12 =	simm.s32 $0x0;
	s1 =	ssub.s32 $0x1000, s2  }
0x7: {  	s8 =	simm.s32 $0x8000;
	s13 =	simm.s32 $0x0;
	s3 =	sand.u32 $0xF80, s1  }
0x8: {  	s9 =	simm.s32 $0x0;
	s5 =	sshrl.u32 s1, $0xC;
	p0 =	sne.s32 s3, $0x0  }
.Ltmp0:
0x9: {  	s1 =	rddreg [dreg:$0x2];
	s4 =	simm.s32 @!p0 $0x0;
	(pc) =	sbr.rel .LBB1_1-.Ltmp0, $4  }
0xa: {  	s11 =	simm.s32 $0x0;
	s3 =	rddreg [dreg:$0x1];
	s5 =	sadd.s32 s4, s5  }
0xb: {  	_ =	strace $0x8000004A;
	s4 =	simm.s32 $0x1;
	s5 =	smul.u32 $0xC8, s5  }
0xc: {  	s6 =	sadd.s32 $0xA00, s6;
	s10 =	smov.u32 s2;
	[sflag:s4] =	ssyncpa.u1 $0x0  }
0xd: {  	p0 =	por $0x0, $0x0;
	[sflag:s7] =	ssyncpa.u1 $0x0;
	s7 =	sor.u32 $0x1, s5  }
.LBB1_4:
0xe: {  	s16 =	sshll.u32 s13, $0x3;
	s17 =	sand.u32 $0x78, s13  }
0xf: {  	s30 =	sand.u32 $0x7E00, s13;
	s12 =	sshll.u32 s12, $0xF;
	s16 =	sand.u32 $0xC00, s16  }
0x10: {  	[tilespmem:s15+$0x810 ss:$0x81] =	vst.msk $0xffff, v2;
	s31 =	sand.u32 $0x7, s13;
	s16 =	sor.u32 s17, s16;
	s17 =	sadd.s32 s3, s30  }
0x11: {  	[tilespmem:s15+$0x1020 ss:$0x81] =	vst.msk $0xffff, v0;
	s13 =	sshll.u32 s31, $0x12;
	s12 =	sadd.s32 s12, s17;
	s16 =	sshrl.u32 s16, $0x3  }
0x12: {  	[tilespmem:s15+$0x0 ss:$0x81] =	vst.msk $0xffff, v1;
	s13 =	sor.u32 $0x400, s13;
	s12 =	sadd.s32 s16, s12  }
0x13: {  	[hbm4b:s12+s13] =	stream.strided.scatter [tilespmem:s14], [sflag:$0x2], $0x2000, s8, s13, $0x20;
	[tilespmem:$0x8080] =	vst v63  }
.LBB1_5:
0x14: {  	s14 =	sadd.s32 $0x1, s9  }
0x15: {  	s12 =	sadd.s32 $0x1000, s10;
	s16 =	smov.u32 s10;
	p2 =	sgt.s32 s14, $0xC7  }
0x16: {  	s16 =	smov.u32 @p2 s12  }
0x17: {  	s14 =	simm.s32 @p2 $0x0;
	p2 =	sgt.s32 s16, $0xFFF  }
0x18: {  	s16 =	smov.u32 @p2 s2;
	p2 =	sne.s32 s11, s7  }
.Ltmp1:
0x19: {  	p1 =	slt.u32 s11, $0x2;
	(pc) =	sbr.rel @!p2 .LBB1_6-.Ltmp1, $4  }
0x1a: {  	s15 =	simm.s32 @!p1 $0x2  }
0x1b: {  	s13 =	smov.u32 s10;
	p0 =	por !p0, !p0;
	_ =	swait.ge @!p1 [sflag:s15], $0x2000  }
0x1c: {  	s12 =	smov.u32 s9;
	[sflag:s15] =	ssyncset.done @!p1 $0x0;
	s9 =	smov.u32 s14  }
0x1d: {  	s11 =	sadd.s32 $0x1, s11;
	[sflag:s15] =	ssyncadd.s32 @!p1 $0xFFFFE000;
	s10 =	smov.u32 s16  }
.LBB1_1:
0x1e: {  	p1 =	sge.u32 s11, s5  }
0x1f: {  	s14 =	sand.u32 @!p1 $0x1FFFFFF, s9  }
0x20: {  	s15 =	smulhi.u32 @!p1 $0x147AE15, s14;
	_ =	sdelay $0x1  }
0x21: {  	s15 =	smul.u32 @!p1 $0xC8, s15  }
0x22: {  	s16 =	sxor.u32 @!p1 $0xFFFFFFFF, s11;
	s17 =	smul.u32 @!p1 $0xC80, s10  }
0x23: {  	s31 =	sadd.s32 $0xFFFFFFFF, s11;
	s16 =	sshll.u32 @!p1 s16, $0xD;
	s14 =	ssub.s32 @!p1 s14, s15  }
0x24: {  	s15 =	sand.u32 @!p1 $0x2000, s16;
	s16 =	sadd.s32 @!p1 s6, s17;
	s14 =	sshll.u32 @!p1 s14, $0x4  }
0x25: {  	s17 =	simm.s32 @!p1 $0x6400;
	s14 =	sadd.s32 @!p1 s14, s16;
	s16 =	simm.s32 @!p1 $0x40  }
0x26: {  	[tilespmem:s15], [sflag:$0x1] =	stream.strided.gather @!p1 [hbm4b:s14+s16], $0x2000, s17, s16, $0x38;
	[tilespmem:$0x8080] =	vst v63  }
0x27: {  	p1 =	sge.u32 s31, s5  }
.Ltmp2:
0x28: {  	_ = 	snop;
	(pc) =	sbr.rel @p1 .LBB1_5-.Ltmp2, $1  }
0x29: {  	_ =	sdelay $0x3  }
0x2a: {  	s14 =	simm.s32 $0x1  }
0x2b: {  	_ =	swait.ge [sflag:s4], $0x2000;
	s14 =	simm.s32 @!p0 $0x0  }
0x2c: {  	[sflag:s4] =	ssyncset.done $0x0;
	s15 =	sshll.u32 s14, $0xD  }
0x2d: {  	[sflag:s4] =	ssyncadd.s32 $0xFFFFE000;
	s18 =	sor.u32 $0x20, s15  }
0x2e: {  	s14 =	smul.u32 $0x8100, s14;
	v3 =	vld [tilespmem:s18+$0x10]  }
0x2f: {  	s30 =	sand.u32 $0x1, s11;
	v2 =	vld [tilespmem:s18+$0xFFFFFFF0]  }
0x30: {  	s15 =	smul.u32 $0x8100, s30;
	s14 =	sshrl.u32 s14, $0x2;
	v0 =	vld [tilespmem:s18+$0x0]  }
0x31: {  	v1 =	vld [tilespmem:s18+$0xFFFFFFE0];
	s16 =	sor.u32 $0x4000, s14  }
0x32: {  	s31 =	sshrl.u32 s15, $0x2;
	s15 =	sadd.s32 $0x0, s16  }
0x33: {  	s17 =	simm.s32 $0x4;
	s18 =	sadd.s32 $0x40, s18;
	s14 =	sor.u32 $0x4000, s31;
	[tilespmem:s15+$0x1830 ss:$0x81] =	vst.msk $0xffff, v3  }
.LBB1_3:
0x34: {  	v3 =	vld [tilespmem:s18+$0x10];
	p1 =	sne.s32 s17, $0x1FC;
	[tilespmem:s15+$0x810 ss:$0x81] =	vst.msk $0xffff, v2;
	s19 =	smov.u32 s17;
	s17 =	sadd.s32 $0x4, s17  }
.Ltmp3:
0x35: {  	v2 =	vld [tilespmem:s18+$0xFFFFFFF0];
	[tilespmem:s15+$0x1020 ss:$0x81] =	vst.msk $0xffff, v0;
	(pc) =	sbr.rel @p1 .LBB1_3-.Ltmp3, $4  }
0x36: {  	v0 =	vld [tilespmem:s18+$0x0];
	[tilespmem:s15+$0x0 ss:$0x81] =	vst.msk $0xffff, v1  }
0x37: {  	s15 =	sshra.s32 s19, $0x2;
	v1 =	vld [tilespmem:s18+$0xFFFFFFE0]  }
0x38: {  	s15 =	sadd.s32 s15, s16  }
0x39: {  	s18 =	sadd.s32 $0x40, s18;
	[tilespmem:s15+$0x1830 ss:$0x81] =	vst.msk $0xffff, v3  }
.Ltmp4:
0x3a: {  	_ = 	snop;
	(pc) =	sbr.rel .LBB1_4-.Ltmp4, $1  }
0x3b: {  	_ =	sdelay $0x3  }
.LBB1_6:
0x3c: {  	_ =	sfence.sel $0x180000  }
0x3d: {  	s2 =	simm.s32 $0x1;
	[bflag:$0x0] =	sbarrier.arrive $0xFFFF  }
0x3e: {  	s31 =	simm.s32 $0x2;
	[sflag:s2] =	ssyncpa.u1 $0x1  }
0x3f: {  	[sflag:s31] =	ssyncpa.u1 $0x1  }
0x40: {  	p0 =	sne.s32 s0, $0x0;
	_ =	strace $0x9000004A  }
0x41: {  	s0 =	sadd.s32 @!p0 $0x100000, s1;
	[bflag:$0x2] =	sbarrier.arrive $0xFFFF  }
0x42: {  	[sflag:s0] =	ssyncadd.tile.s32 @!p0 $0x1;
	_ =	shalt  }
.Lfunc_end1:
_tile_overlayer_lowered:
.L_overlay_start_2:
0x43: {  	(tag) =	ssettag $0x2  }
0x44: {  	s0 =	rddreg [dreg:$0x0];
	s2 =	stileid.u32  }
0x45: {  	s1 =	rddreg [dreg:$0x1];
	p0 =	sne.s32 s2, $0x0  }
0x46: {  	s3 =	rddreg [dreg:$0x2];
	[bflag:$0x3] =	sbarrier.arrive $0xFFFF;
	s2 =	simm.s32 @!p0 $0x1C01  }
0x47: {  	[timem:s3], [sflag:s2] =	dma.local @!p0 [hbm:s0], s1  }
0x48: {  	s0 =	simm.s32 @!p0 $0x1  }
0x49: {  	_ =	swait.ge @!p0 [sflag:s0], s1  }
0x4a: {  	s1 =	ssub.s32 @!p0 $0x0, s1;
	[sflag:s0] =	ssyncset.done @!p0 $0x0  }
0x4b: {  	[sflag:s0] =	ssyncadd.s32 @!p0 s1  }
0x4c: {  	[bflag:$0x3] =	sbarrier.arrive $0xFFFF  }
0x4d: {  	_ =	shalt  }

</sc_bundles>
